<compile_context>
chip_gen: v7x
topology: tpu7x:2x2x1
jax: 0.10.2.dev20260603
libtpu: 0.0.44.dev20260713+nightly
codegen_flags: <defaults>
</compile_context>

<pallas_src>
import functools

import jax
import jax.numpy as jnp
from jax import lax
from jax.experimental import pallas as pl
from jax.experimental.pallas import tpu as pltpu
from jax.experimental.pallas import tpu_sc as plsc

MU = 3.5
BU = 0.1
BI = -0.05
B_UI = MU + BU + BI

N_USER = 10000
N_ITEM = 1000
H = 64
W = 128
BATCH = 16384

NUM_CORES = 2
NUM_SUBCORES = 16
L = 16
NW = NUM_CORES * NUM_SUBCORES
BPW = BATCH // NW
CHUNK = 256

DEPAD_ROWS = 40
NBLK = (N_USER + W - 1) // W


def _depad_body(w_ref, o_ref):
    x = w_ref[...]
    parts = [x[:, b * W:(b + 1) * W] for b in range(N_USER // W)]
    parts.append(jnp.pad(x[:, (N_USER // W) * W:],
                         ((0, 0), (0, NBLK * W - N_USER))))
    o_ref[...] = jnp.stack(parts, axis=0)


def _mf_body(u_hbm, i_hbm, p_hbm, q_hbm, mf_hbm,
             u_v, i_v, p_v, q_v, o_v, sem):
    wid = lax.axis_index("s") * NUM_CORES + lax.axis_index("c")
    base = wid * BPW

    pltpu.sync_copy(u_hbm.at[pl.ds(base, BPW)], u_v)
    pltpu.sync_copy(i_hbm.at[pl.ds(base, BPW)], i_v)

    last_lane = lax.iota(jnp.int32, L) == (L - 1)

    def chunk_body(c, carry):
        cbase = c * CHUNK
        cp_p = pltpu.async_copy(p_hbm.at[u_v.at[pl.ds(cbase, CHUNK)]], p_v,
                                sem)
        cp_q = pltpu.async_copy(q_hbm.at[i_v.at[pl.ds(cbase, CHUNK)]], q_v,
                                sem)
        cp_p.wait()
        cp_q.wait()

        def row_body(b):
            acc = p_v[b, pl.ds(0, L)] * q_v[b, pl.ds(0, L)]
            for h in range(1, H // L):
                acc = acc + p_v[b, pl.ds(h * L, L)] * q_v[b, pl.ds(h * L, L)]
            tot = plsc.cumsum(acc)
            plsc.store_scatter(o_v, [jnp.full((L,), cbase + b, jnp.int32)],
                               tot, mask=last_lane)

        plsc.parallel_loop(0, CHUNK, 1, unroll=4)(row_body)
        return carry

    lax.fori_loop(0, BPW // CHUNK, chunk_body, 0)
    pltpu.sync_copy(o_v, mf_hbm.at[pl.ds(base, BPW)])


def _w_body(u_hbm, i_hbm, r_hbm, mf_hbm, wdp_hbm, out_hbm,
            u_v, i_v, r_v, mf_v, row_v, o_v, wbuf_v, sem):
    wid = lax.axis_index("s") * NUM_CORES + lax.axis_index("c")
    base = wid * BPW

    pltpu.sync_copy(u_hbm.at[pl.ds(base, BPW)], u_v)
    pltpu.sync_copy(i_hbm.at[pl.ds(base, BPW)], i_v)
    pltpu.sync_copy(r_hbm.at[pl.ds(base, BPW)], r_v)
    pltpu.sync_copy(mf_hbm.at[pl.ds(base, BPW)], mf_v)

    def rows_body(g, carry):
        s = pl.ds(g * L, L)
        row_v[s] = (jax.lax.shift_right_logical(u_v[s], 7) * N_ITEM
                    + i_v[s])
        return carry

    lax.fori_loop(0, BPW // L, rows_body, 0)

    lanes = lax.iota(jnp.int32, L)

    def chunk_body(c, carry):
        cbase = c * CHUNK
        cp = pltpu.async_copy(wdp_hbm.at[row_v.at[pl.ds(cbase, CHUNK)]],
                              wbuf_v, sem)
        cp.wait()

        def sel_body(g, carry2):
            s = pl.ds(cbase + g * L, L)
            colv = u_v[s] & (W - 1)
            val = plsc.load_gather(wbuf_v, [g * L + lanes, colv])
            o_v[s] = mf_v[s] + B_UI + val * (r_v[s] - B_UI)
            return carry2

        lax.fori_loop(0, CHUNK // L, sel_body, 0)
        return carry

    lax.fori_loop(0, BPW // CHUNK, chunk_body, 0)
    pltpu.sync_copy(o_v, out_hbm.at[pl.ds(base, BPW)])


@jax.jit
def _svd_sc(u, i, r, w_ij, P, Q):
    p2 = jnp.pad(P, ((0, 0), (0, W - H)))
    q2 = jnp.pad(Q, ((0, 0), (0, W - H)))
    wdp3 = pl.pallas_call(
        _depad_body,
        grid=(N_ITEM // DEPAD_ROWS,),
        in_specs=[pl.BlockSpec((DEPAD_ROWS, N_USER), lambda r: (r, 0))],
        out_specs=pl.BlockSpec((NBLK, DEPAD_ROWS, W), lambda r: (0, r, 0)),
        out_shape=jax.ShapeDtypeStruct((NBLK, N_ITEM, W), jnp.float32),
    )(w_ij.T)
    wdp = wdp3.reshape(NBLK * N_ITEM, W)

    mesh = plsc.VectorSubcoreMesh(core_axis_name="c", subcore_axis_name="s")
    sc_params = pltpu.CompilerParams(needs_layout_passes=False)

    mf = functools.partial(
        pl.kernel,
        mesh=mesh,
        compiler_params=sc_params,
        out_type=jax.ShapeDtypeStruct((BATCH,), jnp.float32),
        scratch_types=[
            pltpu.VMEM((BPW,), jnp.int32),
            pltpu.VMEM((BPW,), jnp.int32),
            pltpu.VMEM((CHUNK, W), jnp.float32),
            pltpu.VMEM((CHUNK, W), jnp.float32),
            pltpu.VMEM((BPW,), jnp.float32),
            pltpu.SemaphoreType.DMA,
        ],
    )(_mf_body)(u, i, p2, q2)

    out = functools.partial(
        pl.kernel,
        mesh=mesh,
        compiler_params=sc_params,
        out_type=jax.ShapeDtypeStruct((BATCH,), jnp.float32),
        scratch_types=[
            pltpu.VMEM((BPW,), jnp.int32),
            pltpu.VMEM((BPW,), jnp.int32),
            pltpu.VMEM((BPW,), jnp.float32),
            pltpu.VMEM((BPW,), jnp.float32),
            pltpu.VMEM((BPW,), jnp.int32),
            pltpu.VMEM((BPW,), jnp.float32),
            pltpu.VMEM((CHUNK, W), jnp.float32),
            pltpu.SemaphoreType.DMA,
        ],
    )(_w_body)(u, i, r, mf, wdp)

    return out


def kernel(u, i, r, w_ij, P, Q):
    u = u.astype(jnp.int32)
    i = i.astype(jnp.int32)
    return _svd_sc(u, i, r, w_ij, P, Q)

# --- scband reference (transcript-rebuilt; emitter-appended) ---
"""Pipeline reference for scband-integrated-svd-6287832121960 (READ-ONLY COPY).

The authoritative reference and input builder live on the scoring server;
editing this copy changes nothing except your own understanding.
"""

import jax, jax.numpy as jnp
import numpy as np

MU = 3.5
BU = 0.1
BI = -0.05
N_USER = 10000
N_ITEM = 1000
H_DIM = 64
BATCH = 16384


def setup_inputs(seed: int = 0) -> dict:
    key = jax.random.key(seed)
    k1, k2, k3, k4, k5, k6 = jax.random.split(key, 6)
    u = jax.random.randint(k1, (BATCH,), 0, N_USER, dtype=jnp.int64 if jax.config.jax_enable_x64 else jnp.int32)
    i = jax.random.randint(k2, (BATCH,), 0, N_ITEM, dtype=jnp.int64 if jax.config.jax_enable_x64 else jnp.int32)
    r = jax.random.uniform(k3, (BATCH,), dtype=jnp.float32)
    # learned parameters, sized per init_kwargs (torch initializes with th.rand -> uniform[0,1))
    w_ij = jax.random.uniform(k4, (N_USER, N_ITEM), dtype=jnp.float32)
    P = jax.random.uniform(k5, (N_USER, H_DIM), dtype=jnp.float32)
    Q = jax.random.uniform(k6, (N_ITEM, H_DIM), dtype=jnp.float32)
    return {"u": u, "i": i, "r": r, "w_ij": w_ij, "P": P, "Q": Q}


def reference(u, i, r, w_ij, P, Q):
    # Integrated SVD (Koren 2008 neighborhood-integrated MF), corrected from the
    # buggy torch forward:
    #   b_ui  = mu + b_u + b_i
    #   pred  = b_ui + q_i^T p_u + w_{u,i} * (r_ui - b_ui)
    b_ui = MU + BU + BI
    p_u = jnp.take(P, u, axis=0)          # gather [B, h_dim]
    q_i = jnp.take(Q, i, axis=0)          # gather [B, h_dim]
    w_ui = w_ij[u, i]                      # gather [B]
    mf = jnp.sum(q_i * p_u, axis=-1)       # [B]
    neigh = w_ui * (r - b_ui)              # [B]
    pred = b_ui + mf + neigh
    return pred

if __name__ == "__main__":
    import jax
    _d = setup_inputs()
    print(jax.jit(kernel)(*tuple(_d.values())))

</pallas_src>

<mosaic_0001>
#map = affine_map<(d0, d1) -> (0)>
#map1 = affine_map<(d0, d1) -> (0, 0)>
module attributes {stable_mosaic.version = 14 : i64} {
  func.func @_w_body(%arg0: i32, %arg1: i32, %arg2: memref<16384xi32, #tpu.memory_space<hbm>>, %arg3: memref<16384xi32, #tpu.memory_space<hbm>>, %arg4: memref<16384xf32, #tpu.memory_space<hbm>>, %arg5: memref<16384xf32, #tpu.memory_space<hbm>>, %arg6: memref<79000x128xf32, #tpu.memory_space<hbm>>, %arg7: memref<16384xf32, #tpu.memory_space<hbm>>, %arg8: memref<512xi32, #tpu.memory_space<vmem>>, %arg9: memref<512xi32, #tpu.memory_space<vmem>>, %arg10: memref<512xf32, #tpu.memory_space<vmem>>, %arg11: memref<512xf32, #tpu.memory_space<vmem>>, %arg12: memref<512xi32, #tpu.memory_space<vmem>>, %arg13: memref<512xf32, #tpu.memory_space<vmem>>, %arg14: memref<256x128xf32, #tpu.memory_space<vmem>>, %arg15: memref<!tpu.dma_semaphore, #tpu.memory_space<semaphore_mem>>) attributes {dimension_semantics = [#tpu.dimension_semantics<core_parallel>, #tpu.dimension_semantics<subcore_parallel>], iteration_bounds = array<i64: 2, 16>, scalar_prefetch = 0 : i64, scratch_operands = 8 : i64, tpu.core_type = #tpu.core_type<sc_vector_subcore>, window_params = [{transform_indices = #map}, {transform_indices = #map}, {transform_indices = #map}, {transform_indices = #map}, {transform_indices = #map1}, {transform_indices = #map}]} {
    %mul3A = arith.constant 2 : i32
    %mul3A_0 = arith.muli %arg1, %mul3A : i32
    %add3A = arith.addi %mul3A_0, %arg0 : i32
    %mul3A_1 = arith.constant 512 : i32
    %mul3A_2 = arith.muli %add3A, %mul3A_1 : i32
    "tpu.region"() ({
      %run_scoped3A = tpu.sem_alloc : memref<!tpu.dma_semaphore, #tpu.memory_space<semaphore_mem>>
      %dma_start3A = tpu.memref_slice %arg2[%mul3A_2] : memref<16384xi32, #tpu.memory_space<hbm>> -> memref<512xi32, #tpu.memory_space<hbm>>
      %dma_start3A_14 = tpu.memref_slice %arg2[%mul3A_2] : memref<16384xi32, #tpu.memory_space<hbm>> -> memref<512xi32, #tpu.memory_space<hbm>>
      tpu.enqueue_dma source(%dma_start3A_14 : memref<512xi32, #tpu.memory_space<hbm>>) target(%arg8 : memref<512xi32, #tpu.memory_space<vmem>>) target_semaphore(%run_scoped3A : memref<!tpu.dma_semaphore, #tpu.memory_space<semaphore_mem>>)
      %dma_wait3A = tpu.memref_slice %arg2[%mul3A_2] : memref<16384xi32, #tpu.memory_space<hbm>> -> memref<512xi32, #tpu.memory_space<hbm>>
      %dma_wait3A_15 = tpu.memref_slice %arg2[%mul3A_2] : memref<16384xi32, #tpu.memory_space<hbm>> -> memref<512xi32, #tpu.memory_space<hbm>>
      tpu.wait_dma2 semaphore(%run_scoped3A : memref<!tpu.dma_semaphore, #tpu.memory_space<semaphore_mem>>) src(%dma_wait3A_15 : memref<512xi32, #tpu.memory_space<hbm>>) dst(%arg8 : memref<512xi32, #tpu.memory_space<vmem>>)
      tpu.yield
    }) : () -> ()
    "tpu.region"() ({
      %run_scoped3A = tpu.sem_alloc : memref<!tpu.dma_semaphore, #tpu.memory_space<semaphore_mem>>
      %dma_start3A = tpu.memref_slice %arg3[%mul3A_2] : memref<16384xi32, #tpu.memory_space<hbm>> -> memref<512xi32, #tpu.memory_space<hbm>>
      %dma_start3A_14 = tpu.memref_slice %arg3[%mul3A_2] : memref<16384xi32, #tpu.memory_space<hbm>> -> memref<512xi32, #tpu.memory_space<hbm>>
      tpu.enqueue_dma source(%dma_start3A_14 : memref<512xi32, #tpu.memory_space<hbm>>) target(%arg9 : memref<512xi32, #tpu.memory_space<vmem>>) target_semaphore(%run_scoped3A : memref<!tpu.dma_semaphore, #tpu.memory_space<semaphore_mem>>)
      %dma_wait3A = tpu.memref_slice %arg3[%mul3A_2] : memref<16384xi32, #tpu.memory_space<hbm>> -> memref<512xi32, #tpu.memory_space<hbm>>
      %dma_wait3A_15 = tpu.memref_slice %arg3[%mul3A_2] : memref<16384xi32, #tpu.memory_space<hbm>> -> memref<512xi32, #tpu.memory_space<hbm>>
      tpu.wait_dma2 semaphore(%run_scoped3A : memref<!tpu.dma_semaphore, #tpu.memory_space<semaphore_mem>>) src(%dma_wait3A_15 : memref<512xi32, #tpu.memory_space<hbm>>) dst(%arg9 : memref<512xi32, #tpu.memory_space<vmem>>)
      tpu.yield
    }) : () -> ()
    "tpu.region"() ({
      %run_scoped3A = tpu.sem_alloc : memref<!tpu.dma_semaphore, #tpu.memory_space<semaphore_mem>>
      %dma_start3A = tpu.memref_slice %arg4[%mul3A_2] : memref<16384xf32, #tpu.memory_space<hbm>> -> memref<512xf32, #tpu.memory_space<hbm>>
      %dma_start3A_14 = tpu.memref_slice %arg4[%mul3A_2] : memref<16384xf32, #tpu.memory_space<hbm>> -> memref<512xf32, #tpu.memory_space<hbm>>
      tpu.enqueue_dma source(%dma_start3A_14 : memref<512xf32, #tpu.memory_space<hbm>>) target(%arg10 : memref<512xf32, #tpu.memory_space<vmem>>) target_semaphore(%run_scoped3A : memref<!tpu.dma_semaphore, #tpu.memory_space<semaphore_mem>>)
      %dma_wait3A = tpu.memref_slice %arg4[%mul3A_2] : memref<16384xf32, #tpu.memory_space<hbm>> -> memref<512xf32, #tpu.memory_space<hbm>>
      %dma_wait3A_15 = tpu.memref_slice %arg4[%mul3A_2] : memref<16384xf32, #tpu.memory_space<hbm>> -> memref<512xf32, #tpu.memory_space<hbm>>
      tpu.wait_dma2 semaphore(%run_scoped3A : memref<!tpu.dma_semaphore, #tpu.memory_space<semaphore_mem>>) src(%dma_wait3A_15 : memref<512xf32, #tpu.memory_space<hbm>>) dst(%arg10 : memref<512xf32, #tpu.memory_space<vmem>>)
      tpu.yield
    }) : () -> ()
    "tpu.region"() ({
      %run_scoped3A = tpu.sem_alloc : memref<!tpu.dma_semaphore, #tpu.memory_space<semaphore_mem>>
      %dma_start3A = tpu.memref_slice %arg5[%mul3A_2] : memref<16384xf32, #tpu.memory_space<hbm>> -> memref<512xf32, #tpu.memory_space<hbm>>
      %dma_start3A_14 = tpu.memref_slice %arg5[%mul3A_2] : memref<16384xf32, #tpu.memory_space<hbm>> -> memref<512xf32, #tpu.memory_space<hbm>>
      tpu.enqueue_dma source(%dma_start3A_14 : memref<512xf32, #tpu.memory_space<hbm>>) target(%arg11 : memref<512xf32, #tpu.memory_space<vmem>>) target_semaphore(%run_scoped3A : memref<!tpu.dma_semaphore, #tpu.memory_space<semaphore_mem>>)
      %dma_wait3A = tpu.memref_slice %arg5[%mul3A_2] : memref<16384xf32, #tpu.memory_space<hbm>> -> memref<512xf32, #tpu.memory_space<hbm>>
      %dma_wait3A_15 = tpu.memref_slice %arg5[%mul3A_2] : memref<16384xf32, #tpu.memory_space<hbm>> -> memref<512xf32, #tpu.memory_space<hbm>>
      tpu.wait_dma2 semaphore(%run_scoped3A : memref<!tpu.dma_semaphore, #tpu.memory_space<semaphore_mem>>) src(%dma_wait3A_15 : memref<512xf32, #tpu.memory_space<hbm>>) dst(%arg11 : memref<512xf32, #tpu.memory_space<vmem>>)
      tpu.yield
    }) : () -> ()
    %scan3A = arith.constant 0 : i32
    %scan3A_3 = arith.constant 0 : i32
    %scan3A_4 = arith.constant 32 : i32
    %scan3A_5 = arith.addi %scan3A_3, %scan3A_4 : i32
    %scan3A_6 = arith.constant 1 : i32
    scf.for %scan3A_14 = %scan3A_3 to %scan3A_5 step %scan3A_6  : i32 {
      %mul3A_15 = arith.constant 16 : i32
      %mul3A_16 = arith.muli %scan3A_14, %mul3A_15 : i32
      %get3A = arith.index_cast %mul3A_16 : i32 to index
      %get3A_17 = tpu.vector_load %arg8[%get3A] {strides = array<i32>} : memref<512xi32, #tpu.memory_space<vmem>>, vector<16xi32>,
      %shift_right_logical3A = arith.constant 7 : i32
      %shift_right_logical3A_18 = vector.broadcast %shift_right_logical3A : i32 to vector<16xi32>
      %shift_right_logical3A_19 = arith.shrui %get3A_17, %shift_right_logical3A_18 : vector<16xi32>
      %mul3A_20 = arith.constant 1000 : i32
      %mul3A_21 = vector.broadcast %mul3A_20 : i32 to vector<16xi32>
      %mul3A_22 = arith.muli %shift_right_logical3A_19, %mul3A_21 : vector<16xi32>
      %get3A_23 = arith.index_cast %mul3A_16 : i32 to index
      %get3A_24 = tpu.vector_load %arg9[%get3A_23] {strides = array<i32>} : memref<512xi32, #tpu.memory_space<vmem>>, vector<16xi32>,
      %add3A_25 = arith.addi %mul3A_22, %get3A_24 : vector<16xi32>
      %swap3A = arith.index_cast %mul3A_16 : i32 to index
      %swap3A_26 = tpu.vector_load %arg12[%swap3A] {strides = array<i32>} : memref<512xi32, #tpu.memory_space<vmem>>, vector<16xi32>,
      tpu.vector_store %arg12[%swap3A], %add3A_25 {strides = array<i32>} : memref<512xi32, #tpu.memory_space<vmem>>, vector<16xi32>,
    }
    %scan3A_7 = arith.constant 32 : i32
    %iota3A = tpu.iota {dimensions = array<i32: 0>} : vector<16xi32>
    %scan3A_8 = arith.constant 0 : i32
    %scan3A_9 = arith.constant 0 : i32
    %scan3A_10 = arith.constant 2 : i32
    %scan3A_11 = arith.addi %scan3A_9, %scan3A_10 : i32
    %scan3A_12 = arith.constant 1 : i32
    scf.for %scan3A_14 = %scan3A_9 to %scan3A_11 step %scan3A_12  : i32 {
      %mul3A_15 = arith.constant 256 : i32
      %mul3A_16 = arith.muli %scan3A_14, %mul3A_15 : i32
      %dma_start3A = tpu.memref_slice %arg12[%mul3A_16] : memref<512xi32, #tpu.memory_space<vmem>> -> memref<256xi32, #tpu.memory_space<vmem>>
      %dma_start3A_17 = arith.constant 0 : i32
      %dma_start3A_18 = arith.constant 0 : i32
      %dma_start3A_19 = tpu.memref_slice %arg6[%dma_start3A_17, %dma_start3A_18] : memref<79000x128xf32, #tpu.memory_space<hbm>> -> memref<79000x128xf32, #tpu.memory_space<hbm>>
      tpu.enqueue_indirect_dma source(%dma_start3A_19 : memref<79000x128xf32, #tpu.memory_space<hbm>>) target(%arg14 : memref<256x128xf32, #tpu.memory_space<vmem>>) offsets(%dma_start3A : memref<256xi32, #tpu.memory_space<vmem>>) semaphore(%arg15 : memref<!tpu.dma_semaphore, #tpu.memory_space<semaphore_mem>>)
      %dma_wait3A = tpu.memref_slice %arg12[%mul3A_16] : memref<512xi32, #tpu.memory_space<vmem>> -> memref<256xi32, #tpu.memory_space<vmem>>
      %dma_wait3A_20 = arith.constant 0 : i32
      %dma_wait3A_21 = arith.constant 0 : i32
      %dma_wait3A_22 = tpu.memref_slice %arg6[%dma_wait3A_20, %dma_wait3A_21] : memref<79000x128xf32, #tpu.memory_space<hbm>> -> memref<79000x128xf32, #tpu.memory_space<hbm>>
      tpu.wait_indirect_dma semaphore(%arg15 : memref<!tpu.dma_semaphore, #tpu.memory_space<semaphore_mem>>) src(%dma_wait3A_22 : memref<79000x128xf32, #tpu.memory_space<hbm>>) dst(%arg14 : memref<256x128xf32, #tpu.memory_space<vmem>>)
      %scan3A_23 = arith.constant 0 : i32
      %scan3A_24 = arith.constant 0 : i32
      %scan3A_25 = arith.constant 16 : i32
      %scan3A_26 = arith.addi %scan3A_24, %scan3A_25 : i32
      %scan3A_27 = arith.constant 1 : i32
      scf.for %scan3A_29 = %scan3A_24 to %scan3A_26 step %scan3A_27  : i32 {
        %mul3A_30 = arith.constant 16 : i32
        %mul3A_31 = arith.muli %scan3A_29, %mul3A_30 : i32
        %add3A_32 = arith.addi %mul3A_16, %mul3A_31 : i32
        %get3A = arith.index_cast %add3A_32 : i32 to index
        %get3A_33 = tpu.vector_load %arg8[%get3A] {strides = array<i32>} : memref<512xi32, #tpu.memory_space<vmem>>, vector<16xi32>,
        %and3A = arith.constant 127 : i32
        %and3A_34 = vector.broadcast %and3A : i32 to vector<16xi32>
        %and3A_35 = arith.andi %get3A_33, %and3A_34 : vector<16xi32>
        %mul3A_36 = arith.constant 16 : i32
        %mul3A_37 = arith.muli %scan3A_29, %mul3A_36 : i32
        %add3A_38 = vector.broadcast %mul3A_37 : i32 to vector<16xi32>
        %add3A_39 = arith.addi %add3A_38, %iota3A : vector<16xi32>
        %gather3A = tpu.vector_load_idx %arg14[%add3A_39, %and3A_35] : memref<256x128xf32, #tpu.memory_space<vmem>>[vector<16xi32>, vector<16xi32>], vector<16xf32>,
        %get3A_40 = arith.index_cast %add3A_32 : i32 to index
        %get3A_41 = tpu.vector_load %arg11[%get3A_40] {strides = array<i32>} : memref<512xf32, #tpu.memory_space<vmem>>, vector<16xf32>,
        %add3A_42 = arith.constant 3.550000e+00 : f32
        %add3A_43 = vector.broadcast %add3A_42 : f32 to vector<16xf32>
        %add3A_44 = arith.addf %get3A_41, %add3A_43 : vector<16xf32>
        %get3A_45 = arith.index_cast %add3A_32 : i32 to index
        %get3A_46 = tpu.vector_load %arg10[%get3A_45] {strides = array<i32>} : memref<512xf32, #tpu.memory_space<vmem>>, vector<16xf32>,
        %sub3A = arith.constant 3.550000e+00 : f32
        %sub3A_47 = vector.broadcast %sub3A : f32 to vector<16xf32>
        %sub3A_48 = arith.subf %get3A_46, %sub3A_47 : vector<16xf32>
        %mul3A_49 = arith.mulf %gather3A, %sub3A_48 : vector<16xf32>
        %add3A_50 = arith.addf %add3A_44, %mul3A_49 : vector<16xf32>
        %swap3A = arith.index_cast %add3A_32 : i32 to index
        %swap3A_51 = tpu.vector_load %arg13[%swap3A] {strides = array<i32>} : memref<512xf32, #tpu.memory_space<vmem>>, vector<16xf32>,
        tpu.vector_store %arg13[%swap3A], %add3A_50 {strides = array<i32>} : memref<512xf32, #tpu.memory_space<vmem>>, vector<16xf32>,
      }
      %scan3A_28 = arith.constant 16 : i32
    }
    %scan3A_13 = arith.constant 2 : i32
    "tpu.region"() ({
      %run_scoped3A = tpu.sem_alloc : memref<!tpu.dma_semaphore, #tpu.memory_space<semaphore_mem>>
      %dma_start3A = tpu.memref_slice %arg7[%mul3A_2] : memref<16384xf32, #tpu.memory_space<hbm>> -> memref<512xf32, #tpu.memory_space<hbm>>
      %dma_start3A_14 = tpu.memref_slice %arg7[%mul3A_2] : memref<16384xf32, #tpu.memory_space<hbm>> -> memref<512xf32, #tpu.memory_space<hbm>>
      tpu.enqueue_dma source(%arg13 : memref<512xf32, #tpu.memory_space<vmem>>) target(%dma_start3A_14 : memref<512xf32, #tpu.memory_space<hbm>>) target_semaphore(%run_scoped3A : memref<!tpu.dma_semaphore, #tpu.memory_space<semaphore_mem>>)
      %dma_wait3A = tpu.memref_slice %arg7[%mul3A_2] : memref<16384xf32, #tpu.memory_space<hbm>> -> memref<512xf32, #tpu.memory_space<hbm>>
      %dma_wait3A_15 = tpu.memref_slice %arg7[%mul3A_2] : memref<16384xf32, #tpu.memory_space<hbm>> -> memref<512xf32, #tpu.memory_space<hbm>>
      tpu.wait_dma2 semaphore(%run_scoped3A : memref<!tpu.dma_semaphore, #tpu.memory_space<semaphore_mem>>) src(%arg13 : memref<512xf32, #tpu.memory_space<vmem>>) dst(%dma_wait3A_15 : memref<512xf32, #tpu.memory_space<hbm>>)
      tpu.yield
    }) : () -> ()
    return
  }
}

#map = affine_map<(d0, d1) -> (0)>
#map1 = affine_map<(d0, d1) -> (0, 0)>
module attributes {stable_mosaic.version = 14 : i64} {
  func.func @_mf_body(%arg0: i32, %arg1: i32, %arg2: memref<16384xi32, #tpu.memory_space<hbm>>, %arg3: memref<16384xi32, #tpu.memory_space<hbm>>, %arg4: memref<10000x128xf32, #tpu.memory_space<hbm>>, %arg5: memref<1000x128xf32, #tpu.memory_space<hbm>>, %arg6: memref<16384xf32, #tpu.memory_space<hbm>>, %arg7: memref<512xi32, #tpu.memory_space<vmem>>, %arg8: memref<512xi32, #tpu.memory_space<vmem>>, %arg9: memref<256x128xf32, #tpu.memory_space<vmem>>, %arg10: memref<256x128xf32, #tpu.memory_space<vmem>>, %arg11: memref<512xf32, #tpu.memory_space<vmem>>, %arg12: memref<!tpu.dma_semaphore, #tpu.memory_space<semaphore_mem>>) attributes {dimension_semantics = [#tpu.dimension_semantics<core_parallel>, #tpu.dimension_semantics<subcore_parallel>], iteration_bounds = array<i64: 2, 16>, scalar_prefetch = 0 : i64, scratch_operands = 6 : i64, tpu.core_type = #tpu.core_type<sc_vector_subcore>, window_params = [{transform_indices = #map}, {transform_indices = #map}, {transform_indices = #map1}, {transform_indices = #map1}, {transform_indices = #map}]} {
    %mul3A = arith.constant 2 : i32
    %mul3A_0 = arith.muli %arg1, %mul3A : i32
    %add3A = arith.addi %mul3A_0, %arg0 : i32
    %mul3A_1 = arith.constant 512 : i32
    %mul3A_2 = arith.muli %add3A, %mul3A_1 : i32
    "tpu.region"() ({
      %run_scoped3A = tpu.sem_alloc : memref<!tpu.dma_semaphore, #tpu.memory_space<semaphore_mem>>
      %dma_start3A = tpu.memref_slice %arg2[%mul3A_2] : memref<16384xi32, #tpu.memory_space<hbm>> -> memref<512xi32, #tpu.memory_space<hbm>>
      %dma_start3A_10 = tpu.memref_slice %arg2[%mul3A_2] : memref<16384xi32, #tpu.memory_space<hbm>> -> memref<512xi32, #tpu.memory_space<hbm>>
      tpu.enqueue_dma source(%dma_start3A_10 : memref<512xi32, #tpu.memory_space<hbm>>) target(%arg7 : memref<512xi32, #tpu.memory_space<vmem>>) target_semaphore(%run_scoped3A : memref<!tpu.dma_semaphore, #tpu.memory_space<semaphore_mem>>)
      %dma_wait3A = tpu.memref_slice %arg2[%mul3A_2] : memref<16384xi32, #tpu.memory_space<hbm>> -> memref<512xi32, #tpu.memory_space<hbm>>
      %dma_wait3A_11 = tpu.memref_slice %arg2[%mul3A_2] : memref<16384xi32, #tpu.memory_space<hbm>> -> memref<512xi32, #tpu.memory_space<hbm>>
      tpu.wait_dma2 semaphore(%run_scoped3A : memref<!tpu.dma_semaphore, #tpu.memory_space<semaphore_mem>>) src(%dma_wait3A_11 : memref<512xi32, #tpu.memory_space<hbm>>) dst(%arg7 : memref<512xi32, #tpu.memory_space<vmem>>)
      tpu.yield
    }) : () -> ()
    "tpu.region"() ({
      %run_scoped3A = tpu.sem_alloc : memref<!tpu.dma_semaphore, #tpu.memory_space<semaphore_mem>>
      %dma_start3A = tpu.memref_slice %arg3[%mul3A_2] : memref<16384xi32, #tpu.memory_space<hbm>> -> memref<512xi32, #tpu.memory_space<hbm>>
      %dma_start3A_10 = tpu.memref_slice %arg3[%mul3A_2] : memref<16384xi32, #tpu.memory_space<hbm>> -> memref<512xi32, #tpu.memory_space<hbm>>
      tpu.enqueue_dma source(%dma_start3A_10 : memref<512xi32, #tpu.memory_space<hbm>>) target(%arg8 : memref<512xi32, #tpu.memory_space<vmem>>) target_semaphore(%run_scoped3A : memref<!tpu.dma_semaphore, #tpu.memory_space<semaphore_mem>>)
      %dma_wait3A = tpu.memref_slice %arg3[%mul3A_2] : memref<16384xi32, #tpu.memory_space<hbm>> -> memref<512xi32, #tpu.memory_space<hbm>>
      %dma_wait3A_11 = tpu.memref_slice %arg3[%mul3A_2] : memref<16384xi32, #tpu.memory_space<hbm>> -> memref<512xi32, #tpu.memory_space<hbm>>
      tpu.wait_dma2 semaphore(%run_scoped3A : memref<!tpu.dma_semaphore, #tpu.memory_space<semaphore_mem>>) src(%dma_wait3A_11 : memref<512xi32, #tpu.memory_space<hbm>>) dst(%arg8 : memref<512xi32, #tpu.memory_space<vmem>>)
      tpu.yield
    }) : () -> ()
    %iota3A = tpu.iota {dimensions = array<i32: 0>} : vector<16xi32>
    %eq3A = arith.constant 15 : i32
    %eq3A_3 = vector.broadcast %eq3A : i32 to vector<16xi32>
    %eq3A_4 = arith.cmpi eq, %iota3A, %eq3A_3 : vector<16xi32>
    %scan3A = arith.constant 0 : i32
    %scan3A_5 = arith.constant 0 : i32
    %scan3A_6 = arith.constant 2 : i32
    %scan3A_7 = arith.addi %scan3A_5, %scan3A_6 : i32
    %scan3A_8 = arith.constant 1 : i32
    scf.for %scan3A_10 = %scan3A_5 to %scan3A_7 step %scan3A_8  : i32 {
      %mul3A_11 = arith.constant 256 : i32
      %mul3A_12 = arith.muli %scan3A_10, %mul3A_11 : i32
      %dma_start3A = tpu.memref_slice %arg7[%mul3A_12] : memref<512xi32, #tpu.memory_space<vmem>> -> memref<256xi32, #tpu.memory_space<vmem>>
      %dma_start3A_13 = arith.constant 0 : i32
      %dma_start3A_14 = arith.constant 0 : i32
      %dma_start3A_15 = tpu.memref_slice %arg4[%dma_start3A_13, %dma_start3A_14] : memref<10000x128xf32, #tpu.memory_space<hbm>> -> memref<10000x128xf32, #tpu.memory_space<hbm>>
      tpu.enqueue_indirect_dma source(%dma_start3A_15 : memref<10000x128xf32, #tpu.memory_space<hbm>>) target(%arg9 : memref<256x128xf32, #tpu.memory_space<vmem>>) offsets(%dma_start3A : memref<256xi32, #tpu.memory_space<vmem>>) semaphore(%arg12 : memref<!tpu.dma_semaphore, #tpu.memory_space<semaphore_mem>>)
      %dma_start3A_16 = tpu.memref_slice %arg8[%mul3A_12] : memref<512xi32, #tpu.memory_space<vmem>> -> memref<256xi32, #tpu.memory_space<vmem>>
      %dma_start3A_17 = arith.constant 0 : i32
      %dma_start3A_18 = arith.constant 0 : i32
      %dma_start3A_19 = tpu.memref_slice %arg5[%dma_start3A_17, %dma_start3A_18] : memref<1000x128xf32, #tpu.memory_space<hbm>> -> memref<1000x128xf32, #tpu.memory_space<hbm>>
      tpu.enqueue_indirect_dma source(%dma_start3A_19 : memref<1000x128xf32, #tpu.memory_space<hbm>>) target(%arg10 : memref<256x128xf32, #tpu.memory_space<vmem>>) offsets(%dma_start3A_16 : memref<256xi32, #tpu.memory_space<vmem>>) semaphore(%arg12 : memref<!tpu.dma_semaphore, #tpu.memory_space<semaphore_mem>>)
      %dma_wait3A = tpu.memref_slice %arg7[%mul3A_12] : memref<512xi32, #tpu.memory_space<vmem>> -> memref<256xi32, #tpu.memory_space<vmem>>
      %dma_wait3A_20 = arith.constant 0 : i32
      %dma_wait3A_21 = arith.constant 0 : i32
      %dma_wait3A_22 = tpu.memref_slice %arg4[%dma_wait3A_20, %dma_wait3A_21] : memref<10000x128xf32, #tpu.memory_space<hbm>> -> memref<10000x128xf32, #tpu.memory_space<hbm>>
      tpu.wait_indirect_dma semaphore(%arg12 : memref<!tpu.dma_semaphore, #tpu.memory_space<semaphore_mem>>) src(%dma_wait3A_22 : memref<10000x128xf32, #tpu.memory_space<hbm>>) dst(%arg9 : memref<256x128xf32, #tpu.memory_space<vmem>>)
      %dma_wait3A_23 = tpu.memref_slice %arg8[%mul3A_12] : memref<512xi32, #tpu.memory_space<vmem>> -> memref<256xi32, #tpu.memory_space<vmem>>
      %dma_wait3A_24 = arith.constant 0 : i32
      %dma_wait3A_25 = arith.constant 0 : i32
      %dma_wait3A_26 = tpu.memref_slice %arg5[%dma_wait3A_24, %dma_wait3A_25] : memref<1000x128xf32, #tpu.memory_space<hbm>> -> memref<1000x128xf32, #tpu.memory_space<hbm>>
      tpu.wait_indirect_dma semaphore(%arg12 : memref<!tpu.dma_semaphore, #tpu.memory_space<semaphore_mem>>) src(%dma_wait3A_26 : memref<1000x128xf32, #tpu.memory_space<hbm>>) dst(%arg10 : memref<256x128xf32, #tpu.memory_space<vmem>>)
      %parallel_loop3A = arith.constant 0 : i32
      %parallel_loop3A_27 = arith.constant 256 : i32
      %parallel_loop3A_28 = arith.constant 1 : i32
      scf.for %parallel_loop3A_29 = %parallel_loop3A to %parallel_loop3A_27 step %parallel_loop3A_28  : i32 {
        %parallel_loop3A_30 = arith.index_cast %parallel_loop3A_29 : i32 to index
        %parallel_loop3A_31 = arith.constant 0 : index
        %parallel_loop3A_32 = tpu.vector_load %arg9[%parallel_loop3A_30, %parallel_loop3A_31] {strides = array<i32>} : memref<256x128xf32, #tpu.memory_space<vmem>>, vector<16xf32>,
        %parallel_loop3A_33 = arith.index_cast %parallel_loop3A_29 : i32 to index
        %parallel_loop3A_34 = arith.constant 0 : index
        %parallel_loop3A_35 = tpu.vector_load %arg10[%parallel_loop3A_33, %parallel_loop3A_34] {strides = array<i32>} : memref<256x128xf32, #tpu.memory_space<vmem>>, vector<16xf32>,
        %parallel_loop3A_36 = arith.mulf %parallel_loop3A_32, %parallel_loop3A_35 : vector<16xf32>
        %parallel_loop3A_37 = arith.index_cast %parallel_loop3A_29 : i32 to index
        %parallel_loop3A_38 = arith.constant 16 : index
        %parallel_loop3A_39 = tpu.vector_load %arg9[%parallel_loop3A_37, %parallel_loop3A_38] {strides = array<i32>} : memref<256x128xf32, #tpu.memory_space<vmem>>, vector<16xf32>,
        %parallel_loop3A_40 = arith.index_cast %parallel_loop3A_29 : i32 to index
        %parallel_loop3A_41 = arith.constant 16 : index
        %parallel_loop3A_42 = tpu.vector_load %arg10[%parallel_loop3A_40, %parallel_loop3A_41] {strides = array<i32>} : memref<256x128xf32, #tpu.memory_space<vmem>>, vector<16xf32>,
        %parallel_loop3A_43 = arith.mulf %parallel_loop3A_39, %parallel_loop3A_42 : vector<16xf32>
        %parallel_loop3A_44 = arith.addf %parallel_loop3A_36, %parallel_loop3A_43 : vector<16xf32>
        %parallel_loop3A_45 = arith.index_cast %parallel_loop3A_29 : i32 to index
        %parallel_loop3A_46 = arith.constant 32 : index
        %parallel_loop3A_47 = tpu.vector_load %arg9[%parallel_loop3A_45, %parallel_loop3A_46] {strides = array<i32>} : memref<256x128xf32, #tpu.memory_space<vmem>>, vector<16xf32>,
        %parallel_loop3A_48 = arith.index_cast %parallel_loop3A_29 : i32 to index
        %parallel_loop3A_49 = arith.constant 32 : index
        %parallel_loop3A_50 = tpu.vector_load %arg10[%parallel_loop3A_48, %parallel_loop3A_49] {strides = array<i32>} : memref<256x128xf32, #tpu.memory_space<vmem>>, vector<16xf32>,
        %parallel_loop3A_51 = arith.mulf %parallel_loop3A_47, %parallel_loop3A_50 : vector<16xf32>
        %parallel_loop3A_52 = arith.addf %parallel_loop3A_44, %parallel_loop3A_51 : vector<16xf32>
        %parallel_loop3A_53 = arith.index_cast %parallel_loop3A_29 : i32 to index
        %parallel_loop3A_54 = arith.constant 48 : index
        %parallel_loop3A_55 = tpu.vector_load %arg9[%parallel_loop3A_53, %parallel_loop3A_54] {strides = array<i32>} : memref<256x128xf32, #tpu.memory_space<vmem>>, vector<16xf32>,
        %parallel_loop3A_56 = arith.index_cast %parallel_loop3A_29 : i32 to index
        %parallel_loop3A_57 = arith.constant 48 : index
        %parallel_loop3A_58 = tpu.vector_load %arg10[%parallel_loop3A_56, %parallel_loop3A_57] {strides = array<i32>} : memref<256x128xf32, #tpu.memory_space<vmem>>, vector<16xf32>,
        %parallel_loop3A_59 = arith.mulf %parallel_loop3A_55, %parallel_loop3A_58 : vector<16xf32>
        %parallel_loop3A_60 = arith.addf %parallel_loop3A_52, %parallel_loop3A_59 : vector<16xf32>
        %parallel_loop3A_61 = arith.constant true
        %parallel_loop3A_62 = vector.broadcast %parallel_loop3A_61 : i1 to vector<16xi1>
        %parallel_loop3A_63 = tpu.scan <sum>, %parallel_loop3A_60 masked %parallel_loop3A_62 : vector<16xf32>, vector<16xi1> -> vector<16xf32>
        %parallel_loop3A_64 = arith.addi %mul3A_12, %parallel_loop3A_29 : i32
        %parallel_loop3A_65 = vector.broadcast %parallel_loop3A_64 : i32 to vector<16xi32>
        tpu.vector_store_idx %arg11[%parallel_loop3A_65], %parallel_loop3A_63 masked %eq3A_4 : memref<512xf32, #tpu.memory_space<vmem>>[vector<16xi32>], vector<16xf32>, vector<16xi1>
      } {sc.loop_unroll_factor = 4 : i64, sc.parallel_access}
    }
    %scan3A_9 = arith.constant 2 : i32
    "tpu.region"() ({
      %run_scoped3A = tpu.sem_alloc : memref<!tpu.dma_semaphore, #tpu.memory_space<semaphore_mem>>
      %dma_start3A = tpu.memref_slice %arg6[%mul3A_2] : memref<16384xf32, #tpu.memory_space<hbm>> -> memref<512xf32, #tpu.memory_space<hbm>>
      %dma_start3A_10 = tpu.memref_slice %arg6[%mul3A_2] : memref<16384xf32, #tpu.memory_space<hbm>> -> memref<512xf32, #tpu.memory_space<hbm>>
      tpu.enqueue_dma source(%arg11 : memref<512xf32, #tpu.memory_space<vmem>>) target(%dma_start3A_10 : memref<512xf32, #tpu.memory_space<hbm>>) target_semaphore(%run_scoped3A : memref<!tpu.dma_semaphore, #tpu.memory_space<semaphore_mem>>)
      %dma_wait3A = tpu.memref_slice %arg6[%mul3A_2] : memref<16384xf32, #tpu.memory_space<hbm>> -> memref<512xf32, #tpu.memory_space<hbm>>
      %dma_wait3A_11 = tpu.memref_slice %arg6[%mul3A_2] : memref<16384xf32, #tpu.memory_space<hbm>> -> memref<512xf32, #tpu.memory_space<hbm>>
      tpu.wait_dma2 semaphore(%run_scoped3A : memref<!tpu.dma_semaphore, #tpu.memory_space<semaphore_mem>>) src(%arg11 : memref<512xf32, #tpu.memory_space<vmem>>) dst(%dma_wait3A_11 : memref<512xf32, #tpu.memory_space<hbm>>)
      tpu.yield
    }) : () -> ()
    return
  }
}

module attributes {stable_mosaic.version = 14 : i64} {
  func.func @_depad_body(%arg0: i32, %arg1: memref<40x10000xf32, #tpu.memory_space<vmem>>, %arg2: memref<79x40x128xf32, #tpu.memory_space<vmem>>) attributes {dimension_semantics = [#tpu.dimension_semantics<arbitrary>], iteration_bounds = array<i64: 25>, scalar_prefetch = 0 : i64, scratch_operands = 0 : i64, tpu.core_type = #tpu.core_type<tc>, window_params = [{transform_indices = @transform_0, window_bounds = array<i64: 40, 10000>}, {transform_indices = @transform_1, window_bounds = array<i64: 79, 40, 128>}]} {
    %get3A = arith.constant 0 : index
    %get3A_0 = arith.constant 0 : index
    %get3A_1 = vector.load %arg1[%get3A, %get3A_0] : memref<40x10000xf32, #tpu.memory_space<vmem>>, vector<40x10000xf32>
    %slice3A = vector.extract_strided_slice %get3A_1 {offsets = [0, 0], sizes = [40, 128], strides = [1, 1]} : vector<40x10000xf32> to vector<40x128xf32>
    %slice3A_2 = vector.extract_strided_slice %get3A_1 {offsets = [0, 128], sizes = [40, 128], strides = [1, 1]} : vector<40x10000xf32> to vector<40x128xf32>
    %slice3A_3 = vector.extract_strided_slice %get3A_1 {offsets = [0, 256], sizes = [40, 128], strides = [1, 1]} : vector<40x10000xf32> to vector<40x128xf32>
    %slice3A_4 = vector.extract_strided_slice %get3A_1 {offsets = [0, 384], sizes = [40, 128], strides = [1, 1]} : vector<40x10000xf32> to vector<40x128xf32>
    %slice3A_5 = vector.extract_strided_slice %get3A_1 {offsets = [0, 512], sizes = [40, 128], strides = [1, 1]} : vector<40x10000xf32> to vector<40x128xf32>
    %slice3A_6 = vector.extract_strided_slice %get3A_1 {offsets = [0, 640], sizes = [40, 128], strides = [1, 1]} : vector<40x10000xf32> to vector<40x128xf32>
    %slice3A_7 = vector.extract_strided_slice %get3A_1 {offsets = [0, 768], sizes = [40, 128], strides = [1, 1]} : vector<40x10000xf32> to vector<40x128xf32>
    %slice3A_8 = vector.extract_strided_slice %get3A_1 {offsets = [0, 896], sizes = [40, 128], strides = [1, 1]} : vector<40x10000xf32> to vector<40x128xf32>
    %slice3A_9 = vector.extract_strided_slice %get3A_1 {offsets = [0, 1024], sizes = [40, 128], strides = [1, 1]} : vector<40x10000xf32> to vector<40x128xf32>
    %slice3A_10 = vector.extract_strided_slice %get3A_1 {offsets = [0, 1152], sizes = [40, 128], strides = [1, 1]} : vector<40x10000xf32> to vector<40x128xf32>
    %slice3A_11 = vector.extract_strided_slice %get3A_1 {offsets = [0, 1280], sizes = [40, 128], strides = [1, 1]} : vector<40x10000xf32> to vector<40x128xf32>
    %slice3A_12 = vector.extract_strided_slice %get3A_1 {offsets = [0, 1408], sizes = [40, 128], strides = [1, 1]} : vector<40x10000xf32> to vector<40x128xf32>
    %slice3A_13 = vector.extract_strided_slice %get3A_1 {offsets = [0, 1536], sizes = [40, 128], strides = [1, 1]} : vector<40x10000xf32> to vector<40x128xf32>
    %slice3A_14 = vector.extract_strided_slice %get3A_1 {offsets = [0, 1664], sizes = [40, 128], strides = [1, 1]} : vector<40x10000xf32> to vector<40x128xf32>
    %slice3A_15 = vector.extract_strided_slice %get3A_1 {offsets = [0, 1792], sizes = [40, 128], strides = [1, 1]} : vector<40x10000xf32> to vector<40x128xf32>
    %slice3A_16 = vector.extract_strided_slice %get3A_1 {offsets = [0, 1920], sizes = [40, 128], strides = [1, 1]} : vector<40x10000xf32> to vector<40x128xf32>
    %slice3A_17 = vector.extract_strided_slice %get3A_1 {offsets = [0, 2048], sizes = [40, 128], strides = [1, 1]} : vector<40x10000xf32> to vector<40x128xf32>
    %slice3A_18 = vector.extract_strided_slice %get3A_1 {offsets = [0, 2176], sizes = [40, 128], strides = [1, 1]} : vector<40x10000xf32> to vector<40x128xf32>
    %slice3A_19 = vector.extract_strided_slice %get3A_1 {offsets = [0, 2304], sizes = [40, 128], strides = [1, 1]} : vector<40x10000xf32> to vector<40x128xf32>
    %slice3A_20 = vector.extract_strided_slice %get3A_1 {offsets = [0, 2432], sizes = [40, 128], strides = [1, 1]} : vector<40x10000xf32> to vector<40x128xf32>
    %slice3A_21 = vector.extract_strided_slice %get3A_1 {offsets = [0, 2560], sizes = [40, 128], strides = [1, 1]} : vector<40x10000xf32> to vector<40x128xf32>
    %slice3A_22 = vector.extract_strided_slice %get3A_1 {offsets = [0, 2688], sizes = [40, 128], strides = [1, 1]} : vector<40x10000xf32> to vector<40x128xf32>
    %slice3A_23 = vector.extract_strided_slice %get3A_1 {offsets = [0, 2816], sizes = [40, 128], strides = [1, 1]} : vector<40x10000xf32> to vector<40x128xf32>
    %slice3A_24 = vector.extract_strided_slice %get3A_1 {offsets = [0, 2944], sizes = [40, 128], strides = [1, 1]} : vector<40x10000xf32> to vector<40x128xf32>
    %slice3A_25 = vector.extract_strided_slice %get3A_1 {offsets = [0, 3072], sizes = [40, 128], strides = [1, 1]} : vector<40x10000xf32> to vector<40x128xf32>
    %slice3A_26 = vector.extract_strided_slice %get3A_1 {offsets = [0, 3200], sizes = [40, 128], strides = [1, 1]} : vector<40x10000xf32> to vector<40x128xf32>
    %slice3A_27 = vector.extract_strided_slice %get3A_1 {offsets = [0, 3328], sizes = [40, 128], strides = [1, 1]} : vector<40x10000xf32> to vector<40x128xf32>
    %slice3A_28 = vector.extract_strided_slice %get3A_1 {offsets = [0, 3456], sizes = [40, 128], strides = [1, 1]} : vector<40x10000xf32> to vector<40x128xf32>
    %slice3A_29 = vector.extract_strided_slice %get3A_1 {offsets = [0, 3584], sizes = [40, 128], strides = [1, 1]} : vector<40x10000xf32> to vector<40x128xf32>
    %slice3A_30 = vector.extract_strided_slice %get3A_1 {offsets = [0, 3712], sizes = [40, 128], strides = [1, 1]} : vector<40x10000xf32> to vector<40x128xf32>
    %slice3A_31 = vector.extract_strided_slice %get3A_1 {offsets = [0, 3840], sizes = [40, 128], strides = [1, 1]} : vector<40x10000xf32> to vector<40x128xf32>
    %slice3A_32 = vector.extract_strided_slice %get3A_1 {offsets = [0, 3968], sizes = [40, 128], strides = [1, 1]} : vector<40x10000xf32> to vector<40x128xf32>
    %slice3A_33 = vector.extract_strided_slice %get3A_1 {offsets = [0, 4096], sizes = [40, 128], strides = [1, 1]} : vector<40x10000xf32> to vector<40x128xf32>
    %slice3A_34 = vector.extract_strided_slice %get3A_1 {offsets = [0, 4224], sizes = [40, 128], strides = [1, 1]} : vector<40x10000xf32> to vector<40x128xf32>
    %slice3A_35 = vector.extract_strided_slice %get3A_1 {offsets = [0, 4352], sizes = [40, 128], strides = [1, 1]} : vector<40x10000xf32> to vector<40x128xf32>
    %slice3A_36 = vector.extract_strided_slice %get3A_1 {offsets = [0, 4480], sizes = [40, 128], strides = [1, 1]} : vector<40x10000xf32> to vector<40x128xf32>
    %slice3A_37 = vector.extract_strided_slice %get3A_1 {offsets = [0, 4608], sizes = [40, 128], strides = [1, 1]} : vector<40x10000xf32> to vector<40x128xf32>
    %slice3A_38 = vector.extract_strided_slice %get3A_1 {offsets = [0, 4736], sizes = [40, 128], strides = [1, 1]} : vector<40x10000xf32> to vector<40x128xf32>
    %slice3A_39 = vector.extract_strided_slice %get3A_1 {offsets = [0, 4864], sizes = [40, 128], strides = [1, 1]} : vector<40x10000xf32> to vector<40x128xf32>
    %slice3A_40 = vector.extract_strided_slice %get3A_1 {offsets = [0, 4992], sizes = [40, 128], strides = [1, 1]} : vector<40x10000xf32> to vector<40x128xf32>
    %slice3A_41 = vector.extract_strided_slice %get3A_1 {offsets = [0, 5120], sizes = [40, 128], strides = [1, 1]} : vector<40x10000xf32> to vector<40x128xf32>
    %slice3A_42 = vector.extract_strided_slice %get3A_1 {offsets = [0, 5248], sizes = [40, 128], strides = [1, 1]} : vector<40x10000xf32> to vector<40x128xf32>
    %slice3A_43 = vector.extract_strided_slice %get3A_1 {offsets = [0, 5376], sizes = [40, 128], strides = [1, 1]} : vector<40x10000xf32> to vector<40x128xf32>
    %slice3A_44 = vector.extract_strided_slice %get3A_1 {offsets = [0, 5504], sizes = [40, 128], strides = [1, 1]} : vector<40x10000xf32> to vector<40x128xf32>
    %slice3A_45 = vector.extract_strided_slice %get3A_1 {offsets = [0, 5632], sizes = [40, 128], strides = [1, 1]} : vector<40x10000xf32> to vector<40x128xf32>
    %slice3A_46 = vector.extract_strided_slice %get3A_1 {offsets = [0, 5760], sizes = [40, 128], strides = [1, 1]} : vector<40x10000xf32> to vector<40x128xf32>
    %slice3A_47 = vector.extract_strided_slice %get3A_1 {offsets = [0, 5888], sizes = [40, 128], strides = [1, 1]} : vector<40x10000xf32> to vector<40x128xf32>
    %slice3A_48 = vector.extract_strided_slice %get3A_1 {offsets = [0, 6016], sizes = [40, 128], strides = [1, 1]} : vector<40x10000xf32> to vector<40x128xf32>
    %slice3A_49 = vector.extract_strided_slice %get3A_1 {offsets = [0, 6144], sizes = [40, 128], strides = [1, 1]} : vector<40x10000xf32> to vector<40x128xf32>
    %slice3A_50 = vector.extract_strided_slice %get3A_1 {offsets = [0, 6272], sizes = [40, 128], strides = [1, 1]} : vector<40x10000xf32> to vector<40x128xf32>
    %slice3A_51 = vector.extract_strided_slice %get3A_1 {offsets = [0, 6400], sizes = [40, 128], strides = [1, 1]} : vector<40x10000xf32> to vector<40x128xf32>
    %slice3A_52 = vector.extract_strided_slice %get3A_1 {offsets = [0, 6528], sizes = [40, 128], strides = [1, 1]} : vector<40x10000xf32> to vector<40x128xf32>
    %slice3A_53 = vector.extract_strided_slice %get3A_1 {offsets = [0, 6656], sizes = [40, 128], strides = [1, 1]} : vector<40x10000xf32> to vector<40x128xf32>
    %slice3A_54 = vector.extract_strided_slice %get3A_1 {offsets = [0, 6784], sizes = [40, 128], strides = [1, 1]} : vector<40x10000xf32> to vector<40x128xf32>
    %slice3A_55 = vector.extract_strided_slice %get3A_1 {offsets = [0, 6912], sizes = [40, 128], strides = [1, 1]} : vector<40x10000xf32> to vector<40x128xf32>
    %slice3A_56 = vector.extract_strided_slice %get3A_1 {offsets = [0, 7040], sizes = [40, 128], strides = [1, 1]} : vector<40x10000xf32> to vector<40x128xf32>
    %slice3A_57 = vector.extract_strided_slice %get3A_1 {offsets = [0, 7168], sizes = [40, 128], strides = [1, 1]} : vector<40x10000xf32> to vector<40x128xf32>
    %slice3A_58 = vector.extract_strided_slice %get3A_1 {offsets = [0, 7296], sizes = [40, 128], strides = [1, 1]} : vector<40x10000xf32> to vector<40x128xf32>
    %slice3A_59 = vector.extract_strided_slice %get3A_1 {offsets = [0, 7424], sizes = [40, 128], strides = [1, 1]} : vector<40x10000xf32> to vector<40x128xf32>
    %slice3A_60 = vector.extract_strided_slice %get3A_1 {offsets = [0, 7552], sizes = [40, 128], strides = [1, 1]} : vector<40x10000xf32> to vector<40x128xf32>
    %slice3A_61 = vector.extract_strided_slice %get3A_1 {offsets = [0, 7680], sizes = [40, 128], strides = [1, 1]} : vector<40x10000xf32> to vector<40x128xf32>
    %slice3A_62 = vector.extract_strided_slice %get3A_1 {offsets = [0, 7808], sizes = [40, 128], strides = [1, 1]} : vector<40x10000xf32> to vector<40x128xf32>
    %slice3A_63 = vector.extract_strided_slice %get3A_1 {offsets = [0, 7936], sizes = [40, 128], strides = [1, 1]} : vector<40x10000xf32> to vector<40x128xf32>
    %slice3A_64 = vector.extract_strided_slice %get3A_1 {offsets = [0, 8064], sizes = [40, 128], strides = [1, 1]} : vector<40x10000xf32> to vector<40x128xf32>
    %slice3A_65 = vector.extract_strided_slice %get3A_1 {offsets = [0, 8192], sizes = [40, 128], strides = [1, 1]} : vector<40x10000xf32> to vector<40x128xf32>
    %slice3A_66 = vector.extract_strided_slice %get3A_1 {offsets = [0, 8320], sizes = [40, 128], strides = [1, 1]} : vector<40x10000xf32> to vector<40x128xf32>
    %slice3A_67 = vector.extract_strided_slice %get3A_1 {offsets = [0, 8448], sizes = [40, 128], strides = [1, 1]} : vector<40x10000xf32> to vector<40x128xf32>
    %slice3A_68 = vector.extract_strided_slice %get3A_1 {offsets = [0, 8576], sizes = [40, 128], strides = [1, 1]} : vector<40x10000xf32> to vector<40x128xf32>
    %slice3A_69 = vector.extract_strided_slice %get3A_1 {offsets = [0, 8704], sizes = [40, 128], strides = [1, 1]} : vector<40x10000xf32> to vector<40x128xf32>
    %slice3A_70 = vector.extract_strided_slice %get3A_1 {offsets = [0, 8832], sizes = [40, 128], strides = [1, 1]} : vector<40x10000xf32> to vector<40x128xf32>
    %slice3A_71 = vector.extract_strided_slice %get3A_1 {offsets = [0, 8960], sizes = [40, 128], strides = [1, 1]} : vector<40x10000xf32> to vector<40x128xf32>
    %slice3A_72 = vector.extract_strided_slice %get3A_1 {offsets = [0, 9088], sizes = [40, 128], strides = [1, 1]} : vector<40x10000xf32> to vector<40x128xf32>
    %slice3A_73 = vector.extract_strided_slice %get3A_1 {offsets = [0, 9216], sizes = [40, 128], strides = [1, 1]} : vector<40x10000xf32> to vector<40x128xf32>
    %slice3A_74 = vector.extract_strided_slice %get3A_1 {offsets = [0, 9344], sizes = [40, 128], strides = [1, 1]} : vector<40x10000xf32> to vector<40x128xf32>
    %slice3A_75 = vector.extract_strided_slice %get3A_1 {offsets = [0, 9472], sizes = [40, 128], strides = [1, 1]} : vector<40x10000xf32> to vector<40x128xf32>
    %slice3A_76 = vector.extract_strided_slice %get3A_1 {offsets = [0, 9600], sizes = [40, 128], strides = [1, 1]} : vector<40x10000xf32> to vector<40x128xf32>
    %slice3A_77 = vector.extract_strided_slice %get3A_1 {offsets = [0, 9728], sizes = [40, 128], strides = [1, 1]} : vector<40x10000xf32> to vector<40x128xf32>
    %slice3A_78 = vector.extract_strided_slice %get3A_1 {offsets = [0, 9856], sizes = [40, 128], strides = [1, 1]} : vector<40x10000xf32> to vector<40x128xf32>
    %slice3A_79 = vector.extract_strided_slice %get3A_1 {offsets = [0, 9984], sizes = [40, 16], strides = [1, 1]} : vector<40x10000xf32> to vector<40x16xf32>
    %jit3A = arith.constant 0 : i32
    %convert_element_type3A = arith.sitofp %jit3A : i32 to f32
    %pad3A = vector.broadcast %convert_element_type3A : f32 to vector<40x112xf32>
    %pad3A_80 = tpu.concatenate %slice3A_79, %pad3A in 1 : vector<40x16xf32>, vector<40x112xf32> -> vector<40x128xf32>
    %stack3A = vector.shape_cast %slice3A : vector<40x128xf32> to vector<1x40x128xf32>
    %stack3A_81 = vector.shape_cast %slice3A_2 : vector<40x128xf32> to vector<1x40x128xf32>
    %stack3A_82 = vector.shape_cast %slice3A_3 : vector<40x128xf32> to vector<1x40x128xf32>
    %stack3A_83 = vector.shape_cast %slice3A_4 : vector<40x128xf32> to vector<1x40x128xf32>
    %stack3A_84 = vector.shape_cast %slice3A_5 : vector<40x128xf32> to vector<1x40x128xf32>
    %stack3A_85 = vector.shape_cast %slice3A_6 : vector<40x128xf32> to vector<1x40x128xf32>
    %stack3A_86 = vector.shape_cast %slice3A_7 : vector<40x128xf32> to vector<1x40x128xf32>
    %stack3A_87 = vector.shape_cast %slice3A_8 : vector<40x128xf32> to vector<1x40x128xf32>
    %stack3A_88 = vector.shape_cast %slice3A_9 : vector<40x128xf32> to vector<1x40x128xf32>
    %stack3A_89 = vector.shape_cast %slice3A_10 : vector<40x128xf32> to vector<1x40x128xf32>
    %stack3A_90 = vector.shape_cast %slice3A_11 : vector<40x128xf32> to vector<1x40x128xf32>
    %stack3A_91 = vector.shape_cast %slice3A_12 : vector<40x128xf32> to vector<1x40x128xf32>
    %stack3A_92 = vector.shape_cast %slice3A_13 : vector<40x128xf32> to vector<1x40x128xf32>
    %stack3A_93 = vector.shape_cast %slice3A_14 : vector<40x128xf32> to vector<1x40x128xf32>
    %stack3A_94 = vector.shape_cast %slice3A_15 : vector<40x128xf32> to vector<1x40x128xf32>
    %stack3A_95 = vector.shape_cast %slice3A_16 : vector<40x128xf32> to vector<1x40x128xf32>
    %stack3A_96 = vector.shape_cast %slice3A_17 : vector<40x128xf32> to vector<1x40x128xf32>
    %stack3A_97 = vector.shape_cast %slice3A_18 : vector<40x128xf32> to vector<1x40x128xf32>
    %stack3A_98 = vector.shape_cast %slice3A_19 : vector<40x128xf32> to vector<1x40x128xf32>
    %stack3A_99 = vector.shape_cast %slice3A_20 : vector<40x128xf32> to vector<1x40x128xf32>
    %stack3A_100 = vector.shape_cast %slice3A_21 : vector<40x128xf32> to vector<1x40x128xf32>
    %stack3A_101 = vector.shape_cast %slice3A_22 : vector<40x128xf32> to vector<1x40x128xf32>
    %stack3A_102 = vector.shape_cast %slice3A_23 : vector<40x128xf32> to vector<1x40x128xf32>
    %stack3A_103 = vector.shape_cast %slice3A_24 : vector<40x128xf32> to vector<1x40x128xf32>
    %stack3A_104 = vector.shape_cast %slice3A_25 : vector<40x128xf32> to vector<1x40x128xf32>
    %stack3A_105 = vector.shape_cast %slice3A_26 : vector<40x128xf32> to vector<1x40x128xf32>
    %stack3A_106 = vector.shape_cast %slice3A_27 : vector<40x128xf32> to vector<1x40x128xf32>
    %stack3A_107 = vector.shape_cast %slice3A_28 : vector<40x128xf32> to vector<1x40x128xf32>
    %stack3A_108 = vector.shape_cast %slice3A_29 : vector<40x128xf32> to vector<1x40x128xf32>
    %stack3A_109 = vector.shape_cast %slice3A_30 : vector<40x128xf32> to vector<1x40x128xf32>
    %stack3A_110 = vector.shape_cast %slice3A_31 : vector<40x128xf32> to vector<1x40x128xf32>
    %stack3A_111 = vector.shape_cast %slice3A_32 : vector<40x128xf32> to vector<1x40x128xf32>
    %stack3A_112 = vector.shape_cast %slice3A_33 : vector<40x128xf32> to vector<1x40x128xf32>
    %stack3A_113 = vector.shape_cast %slice3A_34 : vector<40x128xf32> to vector<1x40x128xf32>
    %stack3A_114 = vector.shape_cast %slice3A_35 : vector<40x128xf32> to vector<1x40x128xf32>
    %stack3A_115 = vector.shape_cast %slice3A_36 : vector<40x128xf32> to vector<1x40x128xf32>
    %stack3A_116 = vector.shape_cast %slice3A_37 : vector<40x128xf32> to vector<1x40x128xf32>
    %stack3A_117 = vector.shape_cast %slice3A_38 : vector<40x128xf32> to vector<1x40x128xf32>
    %stack3A_118 = vector.shape_cast %slice3A_39 : vector<40x128xf32> to vector<1x40x128xf32>
    %stack3A_119 = vector.shape_cast %slice3A_40 : vector<40x128xf32> to vector<1x40x128xf32>
    %stack3A_120 = vector.shape_cast %slice3A_41 : vector<40x128xf32> to vector<1x40x128xf32>
    %stack3A_121 = vector.shape_cast %slice3A_42 : vector<40x128xf32> to vector<1x40x128xf32>
    %stack3A_122 = vector.shape_cast %slice3A_43 : vector<40x128xf32> to vector<1x40x128xf32>
    %stack3A_123 = vector.shape_cast %slice3A_44 : vector<40x128xf32> to vector<1x40x128xf32>
    %stack3A_124 = vector.shape_cast %slice3A_45 : vector<40x128xf32> to vector<1x40x128xf32>
    %stack3A_125 = vector.shape_cast %slice3A_46 : vector<40x128xf32> to vector<1x40x128xf32>
    %stack3A_126 = vector.shape_cast %slice3A_47 : vector<40x128xf32> to vector<1x40x128xf32>
    %stack3A_127 = vector.shape_cast %slice3A_48 : vector<40x128xf32> to vector<1x40x128xf32>
    %stack3A_128 = vector.shape_cast %slice3A_49 : vector<40x128xf32> to vector<1x40x128xf32>
    %stack3A_129 = vector.shape_cast %slice3A_50 : vector<40x128xf32> to vector<1x40x128xf32>
    %stack3A_130 = vector.shape_cast %slice3A_51 : vector<40x128xf32> to vector<1x40x128xf32>
    %stack3A_131 = vector.shape_cast %slice3A_52 : vector<40x128xf32> to vector<1x40x128xf32>
    %stack3A_132 = vector.shape_cast %slice3A_53 : vector<40x128xf32> to vector<1x40x128xf32>
    %stack3A_133 = vector.shape_cast %slice3A_54 : vector<40x128xf32> to vector<1x40x128xf32>
    %stack3A_134 = vector.shape_cast %slice3A_55 : vector<40x128xf32> to vector<1x40x128xf32>
    %stack3A_135 = vector.shape_cast %slice3A_56 : vector<40x128xf32> to vector<1x40x128xf32>
    %stack3A_136 = vector.shape_cast %slice3A_57 : vector<40x128xf32> to vector<1x40x128xf32>
    %stack3A_137 = vector.shape_cast %slice3A_58 : vector<40x128xf32> to vector<1x40x128xf32>
    %stack3A_138 = vector.shape_cast %slice3A_59 : vector<40x128xf32> to vector<1x40x128xf32>
    %stack3A_139 = vector.shape_cast %slice3A_60 : vector<40x128xf32> to vector<1x40x128xf32>
    %stack3A_140 = vector.shape_cast %slice3A_61 : vector<40x128xf32> to vector<1x40x128xf32>
    %stack3A_141 = vector.shape_cast %slice3A_62 : vector<40x128xf32> to vector<1x40x128xf32>
    %stack3A_142 = vector.shape_cast %slice3A_63 : vector<40x128xf32> to vector<1x40x128xf32>
    %stack3A_143 = vector.shape_cast %slice3A_64 : vector<40x128xf32> to vector<1x40x128xf32>
    %stack3A_144 = vector.shape_cast %slice3A_65 : vector<40x128xf32> to vector<1x40x128xf32>
    %stack3A_145 = vector.shape_cast %slice3A_66 : vector<40x128xf32> to vector<1x40x128xf32>
    %stack3A_146 = vector.shape_cast %slice3A_67 : vector<40x128xf32> to vector<1x40x128xf32>
    %stack3A_147 = vector.shape_cast %slice3A_68 : vector<40x128xf32> to vector<1x40x128xf32>
    %stack3A_148 = vector.shape_cast %slice3A_69 : vector<40x128xf32> to vector<1x40x128xf32>
    %stack3A_149 = vector.shape_cast %slice3A_70 : vector<40x128xf32> to vector<1x40x128xf32>
    %stack3A_150 = vector.shape_cast %slice3A_71 : vector<40x128xf32> to vector<1x40x128xf32>
    %stack3A_151 = vector.shape_cast %slice3A_72 : vector<40x128xf32> to vector<1x40x128xf32>
    %stack3A_152 = vector.shape_cast %slice3A_73 : vector<40x128xf32> to vector<1x40x128xf32>
    %stack3A_153 = vector.shape_cast %slice3A_74 : vector<40x128xf32> to vector<1x40x128xf32>
    %stack3A_154 = vector.shape_cast %slice3A_75 : vector<40x128xf32> to vector<1x40x128xf32>
    %stack3A_155 = vector.shape_cast %slice3A_76 : vector<40x128xf32> to vector<1x40x128xf32>
    %stack3A_156 = vector.shape_cast %slice3A_77 : vector<40x128xf32> to vector<1x40x128xf32>
    %stack3A_157 = vector.shape_cast %slice3A_78 : vector<40x128xf32> to vector<1x40x128xf32>
    %stack3A_158 = vector.shape_cast %pad3A_80 : vector<40x128xf32> to vector<1x40x128xf32>
    %stack3A_159 = tpu.concatenate %stack3A, %stack3A_81, %stack3A_82, %stack3A_83, %stack3A_84, %stack3A_85, %stack3A_86, %stack3A_87, %stack3A_88, %stack3A_89, %stack3A_90, %stack3A_91, %stack3A_92, %stack3A_93, %stack3A_94, %stack3A_95, %stack3A_96, %stack3A_97, %stack3A_98, %stack3A_99, %stack3A_100, %stack3A_101, %stack3A_102, %stack3A_103, %stack3A_104, %stack3A_105, %stack3A_106, %stack3A_107, %stack3A_108, %stack3A_109, %stack3A_110, %stack3A_111, %stack3A_112, %stack3A_113, %stack3A_114, %stack3A_115, %stack3A_116, %stack3A_117, %stack3A_118, %stack3A_119, %stack3A_120, %stack3A_121, %stack3A_122, %stack3A_123, %stack3A_124, %stack3A_125, %stack3A_126, %stack3A_127, %stack3A_128, %stack3A_129, %stack3A_130, %stack3A_131, %stack3A_132, %stack3A_133, %stack3A_134, %stack3A_135, %stack3A_136, %stack3A_137, %stack3A_138, %stack3A_139, %stack3A_140, %stack3A_141, %stack3A_142, %stack3A_143, %stack3A_144, %stack3A_145, %stack3A_146, %stack3A_147, %stack3A_148, %stack3A_149, %stack3A_150, %stack3A_151, %stack3A_152, %stack3A_153, %stack3A_154, %stack3A_155, %stack3A_156, %stack3A_157, %stack3A_158 in 0 : vector<1x40x128xf32>, vector<1x40x128xf32>, vector<1x40x128xf32>, vector<1x40x128xf32>, vector<1x40x128xf32>, vector<1x40x128xf32>, vector<1x40x128xf32>, vector<1x40x128xf32>, vector<1x40x128xf32>, vector<1x40x128xf32>, vector<1x40x128xf32>, vector<1x40x128xf32>, vector<1x40x128xf32>, vector<1x40x128xf32>, vector<1x40x128xf32>, vector<1x40x128xf32>, vector<1x40x128xf32>, vector<1x40x128xf32>, vector<1x40x128xf32>, vector<1x40x128xf32>, vector<1x40x128xf32>, vector<1x40x128xf32>, vector<1x40x128xf32>, vector<1x40x128xf32>, vector<1x40x128xf32>, vector<1x40x128xf32>, vector<1x40x128xf32>, vector<1x40x128xf32>, vector<1x40x128xf32>, vector<1x40x128xf32>, vector<1x40x128xf32>, vector<1x40x128xf32>, vector<1x40x128xf32>, vector<1x40x128xf32>, vector<1x40x128xf32>, vector<1x40x128xf32>, vector<1x40x128xf32>, vector<1x40x128xf32>, vector<1x40x128xf32>, vector<1x40x128xf32>, vector<1x40x128xf32>, vector<1x40x128xf32>, vector<1x40x128xf32>, vector<1x40x128xf32>, vector<1x40x128xf32>, vector<1x40x128xf32>, vector<1x40x128xf32>, vector<1x40x128xf32>, vector<1x40x128xf32>, vector<1x40x128xf32>, vector<1x40x128xf32>, vector<1x40x128xf32>, vector<1x40x128xf32>, vector<1x40x128xf32>, vector<1x40x128xf32>, vector<1x40x128xf32>, vector<1x40x128xf32>, vector<1x40x128xf32>, vector<1x40x128xf32>, vector<1x40x128xf32>, vector<1x40x128xf32>, vector<1x40x128xf32>, vector<1x40x128xf32>, vector<1x40x128xf32>, vector<1x40x128xf32>, vector<1x40x128xf32>, vector<1x40x128xf32>, vector<1x40x128xf32>, vector<1x40x128xf32>, vector<1x40x128xf32>, vector<1x40x128xf32>, vector<1x40x128xf32>, vector<1x40x128xf32>, vector<1x40x128xf32>, vector<1x40x128xf32>, vector<1x40x128xf32>, vector<1x40x128xf32>, vector<1x40x128xf32>, vector<1x40x128xf32> -> vector<79x40x128xf32>
    %swap3A = arith.constant 0 : index
    %swap3A_160 = arith.constant 0 : index
    %swap3A_161 = arith.constant 0 : index
    %swap3A_162 = vector.load %arg2[%swap3A, %swap3A_160, %swap3A_161] : memref<79x40x128xf32, #tpu.memory_space<vmem>>, vector<79x40x128xf32>
    tpu.vector_store %arg2[%swap3A, %swap3A_160, %swap3A_161], %stack3A_159 {strides = array<i32>} : memref<79x40x128xf32, #tpu.memory_space<vmem>>, vector<79x40x128xf32>,
    return
  }
  func.func @transform_0(%arg0: i32) -> (i32, i32) {
    %c0_i32 = arith.constant 0 : i32
    %c0_i32_0 = arith.constant 0 : i32
    return %arg0, %c0_i32 : i32, i32
  }
  func.func @transform_1(%arg0: i32) -> (i32, i32, i32) {
    %c0_i32 = arith.constant 0 : i32
    %c0_i32_0 = arith.constant 0 : i32
    %c0_i32_1 = arith.constant 0 : i32
    return %c0_i32, %arg0, %c0_i32_0 : i32, i32, i32
  }
}

</mosaic_0001>

<sc_bundles>
// kernel: _svd_sc.5.cloned.1.call-start
scs
__scs_entry_jumppad:
0x0: {  	(pc) =	sbr.rel $0x88, $3  }
0x1: {  	(tag) =	ssettag $0x0;
	lr =	simm.s32 $0x1  }
0x2: {  	[smem:$0x3F9B] =	sst lr;
	_ =	strace $0xD0000000  }
0x3: {  	_ = 	snop  }
0x4: {  	_ = 	snop  }
0x5: {  	_ = 	snop  }
0x6: {  	_ = 	snop  }
0x7: {  	_ = 	snop  }
__scs_overlays_trampoline_lowered:
0x8: {  	[smem:$0x3FAA] =	sst s0  }
0x9: {  	[smem:$0x3FAB] =	sst s1  }
0xa: {  	[smem:$0x3FAC] =	sst s2  }
0xb: {  	[smem:$0x3FAD] =	sst s3  }
0xc: {  	[smem:$0x3FAE] =	sst s4  }
0xd: {  	[smem:$0x3FAF] =	sst s5  }
0xe: {  	[smem:$0x3FB0] =	sst s6  }
0xf: {  	[smem:$0x3FB1] =	sst s7  }
0x10: {  	[smem:$0x3FB2] =	sst s8  }
0x11: {  	[smem:$0x3FB3] =	sst s9;
	s0 =	simm.s32 @!p0 $0x0  }
0x12: {  	s1 =	sld [smem:$0x3F99];
	s0 =	simm.s32 @p0 $0x1  }
0x13: {  	[smem:$0x3FB4] =	sst s0;
	s0 =	simm.s32 @!p1 $0x0  }
0x14: {  	s2 =	sld [smem:$0x3F98];
	s0 =	simm.s32 @p1 $0x1  }
0x15: {  	[smem:$0x3FB5] =	sst s0;
	s0 =	simm.s32 @!p2 $0x0  }
0x16: {  	s3 =	sld [smem:$0x3FDB];
	s0 =	simm.s32 @p2 $0x1  }
0x17: {  	s4 =	simm.s32 $0x1BF5;
	[smem:$0x3FB7] =	sst s0  }
0x18: {  	s0 =	sld [smem:$0x3F9A];
	_ =	swait.ge [sflag:s4], $0x0  }
0x19: {  	s7 =	sld [smem:$0x3F9B]  }
0x1a: {  	s8 =	sadd.s32 $0xFFFFE003, lr  }
0x1b: {  	s9 =	sadd.s32 $0xFFFFFEF7, lr;
	s5 =	simm.s32 $0xFFFFFFFF;
	p2 =	slt.u32 s8, $0xFFFFF086  }
0x1c: {  	p1 =	slt.u32 s9, $0xF7A;
	s5 =	simm.s32 @!p2 $0x0  }
0x1d: {  	s5 =	simm.s32 @p1 $0x1;
	p0 =	seq.s32 s7, s2  }
0x1e: {  	s7 =	smul.u32 @!p0 $0xF7A, s2;
	p2 =	seq.s32 @!p0 s5, $0x0  }
0x1f: {  	s9 =	smul.u32 $0xF7A, s1;
	s8 =	simm.s32 @!p0 $0x1BF5;
	p2 =	por !p2, p0  }
0x20: {  	[sflag:s8] =	ssyncset.s32 @!p0 $0xFFFFF086;
	s6 =	sadd.s32 @!p0 s3, s7;
	s7 =	simm.s32 @!p0 $0x108  }
0x21: {  	s3 =	sadd.s32 s3, s9;
	s6 =	sadd.s32 @!p0 $0x88, s6;
	s7 =	simm.s32 @p2 $0x1082  }
0x22: {  	[simem:s7], [sflag:s8] =	dma.local @!p0 [hbm:s6], $0xF7A  }
0x23: {  	s9 =	sor.u32 $0xD0000000, s2;
	s6 =	simm.s32 $0x108;
	_ =	swait.ge @!p0 [sflag:s8], $0x0  }
0x24: {  	s3 =	sadd.s32 $0x88, s3;
	s6 =	simm.s32 @!p1 $0x1082;
	[sflag:s4] =	ssyncset.s32 $0xFFFFF086  }
0x25: {  	[simem:s6], [sflag:s4] =	dma.local [hbm:s3], $0xF7A  }
0x26: {  	[smem:$0x3F9B] =	sst s1;
	(tag) =	ssettag s2;
	_ =	strace s9  }
0x27: {  	s1 =	sld [smem:$0x3FAB]  }
0x28: {  	s2 =	sld [smem:$0x3FAC]  }
0x29: {  	s4 =	sld [smem:$0x3FAE]  }
0x2a: {  	p0 =	seq.s32 s5, $0x0;
	s5 =	sld [smem:$0x3FAF]  }
0x2b: {  	s6 =	sld [smem:$0x3FB0]  }
0x2c: {  	s7 =	sld [smem:$0x3FB1]  }
0x2d: {  	s3 =	simm.s32 $0x108;
	s8 =	sld [smem:$0x3FB2]  }
0x2e: {  	s3 =	simm.s32 @!p0 $0x1082;
	s9 =	sld [smem:$0x3FB3]  }
0x2f: {  	lr =	sadd.s32 s0, s3;
	s0 =	sld [smem:$0x3FAA]  }
0x30: {  	s3 =	sld [smem:$0x3FAD]  }
0x31: {  	[smem:$0x3FB6] =	sst s10  }
0x32: {  	s10 =	sld [smem:$0x3FB4];
	_ =	sdelay $0x3  }
0x33: {  	p0 =	seq.s32 s10, $0x1;
	s10 =	sld [smem:$0x3FB6];
	_ =	sdelay $0x3  }
0x34: {  	[smem:$0x3FB6] =	sst s10  }
0x35: {  	s10 =	sld [smem:$0x3FB5];
	_ =	sdelay $0x3  }
0x36: {  	p1 =	seq.s32 s10, $0x1;
	s10 =	sld [smem:$0x3FB6];
	_ =	sdelay $0x3  }
0x37: {  	[smem:$0x3FB6] =	sst s10  }
0x38: {  	s10 =	sld [smem:$0x3FB7]  }
0x39: {  	_ = 	snop;
	(pc) =	sbr.ind lr, $3  }
0x3a: {  	_ = 	snop  }
0x3b: {  	_ = 	snop  }
0x3c: {  	p2 =	seq.s32 s10, $0x1;
	s10 =	sld [smem:$0x3FB6]  }
0x3d: {  	_ =	shalt  }
0x3e: {  	_ =	shalt  }
0x3f: {  	_ =	shalt  }
0x40: {  	_ =	shalt  }
0x41: {  	_ =	shalt  }
0x42: {  	_ =	shalt  }
0x43: {  	_ =	shalt  }
0x44: {  	_ =	shalt  }
0x45: {  	_ =	shalt  }
0x46: {  	_ =	shalt  }
0x47: {  	_ =	shalt  }
0x48: {  	_ =	shalt  }
0x49: {  	_ =	shalt  }
0x4a: {  	_ =	shalt  }
0x4b: {  	_ =	shalt  }
0x4c: {  	_ =	shalt  }
0x4d: {  	_ =	shalt  }
0x4e: {  	_ =	shalt  }
0x4f: {  	_ =	shalt  }
0x50: {  	_ =	shalt  }
0x51: {  	_ =	shalt  }
0x52: {  	_ =	shalt  }
0x53: {  	_ =	shalt  }
0x54: {  	_ =	shalt  }
0x55: {  	_ =	shalt  }
0x56: {  	_ =	shalt  }
0x57: {  	_ =	shalt  }
0x58: {  	_ =	shalt  }
0x59: {  	_ =	shalt  }
0x5a: {  	_ =	shalt  }
0x5b: {  	_ =	shalt  }
0x5c: {  	_ =	shalt  }
0x5d: {  	_ =	shalt  }
0x5e: {  	_ =	shalt  }
0x5f: {  	_ =	shalt  }
0x60: {  	_ =	shalt  }
0x61: {  	_ =	shalt  }
0x62: {  	_ =	shalt  }
0x63: {  	_ =	shalt  }
0x64: {  	_ =	shalt  }
0x65: {  	_ =	shalt  }
0x66: {  	_ =	shalt  }
0x67: {  	_ =	shalt  }
0x68: {  	_ =	shalt  }
0x69: {  	_ =	shalt  }
0x6a: {  	_ =	shalt  }
0x6b: {  	_ =	shalt  }
0x6c: {  	_ =	shalt  }
0x6d: {  	_ =	shalt  }
0x6e: {  	_ =	shalt  }
0x6f: {  	_ =	shalt  }
0x70: {  	_ =	shalt  }
0x71: {  	_ =	shalt  }
0x72: {  	_ =	shalt  }
0x73: {  	_ =	shalt  }
0x74: {  	_ =	shalt  }
0x75: {  	_ =	shalt  }
0x76: {  	_ =	shalt  }
0x77: {  	_ =	shalt  }
0x78: {  	_ =	shalt  }
0x79: {  	_ =	shalt  }
0x7a: {  	_ =	shalt  }
0x7b: {  	_ =	shalt  }
0x7c: {  	_ =	shalt  }
0x7d: {  	_ =	shalt  }
0x7e: {  	_ =	shalt  }
0x7f: {  	_ =	shalt  }
0x80: {  	_ =	shalt  }
0x81: {  	_ =	shalt  }
0x82: {  	_ =	shalt  }
0x83: {  	_ =	shalt  }
0x84: {  	_ =	shalt  }
0x85: {  	_ =	shalt  }
0x86: {  	_ =	shalt  }
0x87: {  	_ =	shalt  }
.Lfunc_end0:
.L_simem_size_0:
called_computation_lowered:
.L_overlay_start_0:
0x88: {  	s2 =	sld [smem:$0x3FD9]  }
0x89: {  	s3 =	sld [smem:$0x3FFE];
	_ =	sdelay $0x1  }
0x8a: {  	s1 =	srdreg.scid  }
0x8b: {  	s0 =	sand.u32 $0x1, s1  }
0x8c: {  	s17 =	sshll.u32 s0, $0xA;
	s2 =	sadd.s32 s3, s2  }
0x8d: {  	s2 =	sadd.s32 s2, s17  }
0x8e: {  	[smem:$0x3FC2] =	sst s2  }
0x8f: {  	_ = 	snop  }
0x90: {  	s2 =	sld [smem:$0x3FC9]  }
0x91: {  	s18 =	sld [smem:$0x3FC8];
	(tm) =	ssettm $0x1  }
0x92: {  	s4 =	sld [smem:$0x3FFB];
	_ =	sdelay $0x3  }
0x93: {  	_ =	strace s4  }
0x94: {  	s4 =	sld [smem:$0x3FFC];
	_ =	sdelay $0x3  }
0x95: {  	_ =	strace s4  }
0x96: {  	s4 =	sld [smem:$0x3FFD];
	_ =	sdelay $0x3  }
0x97: {  	_ =	strace s4  }
0x98: {  	_ =	strace $0x8FFFFFFF  }
0x99: {  	s19 =	sld [smem:$0x3FDB];
	_ =	sdelay $0x1  }
0x9a: {  	s5 =	simm.s32 $_scs_section_size  }
0x9b: {  	s6 =	simm.s32 $_size__tile_overlayer_lowered;
	s7 =	simm.s32 $_tile_overlayer_lowered  }
0x9c: {  	s22 =	simm.s32 $0x1BFF;
	s21 =	sshll.u32 s7, $0x1;
	s4 =	sadd.s32 s5, s19  }
0x9d: {  	s8 =	simm.s32 $0x0;
	s20 =	sshll.u32 s6, $0x1;
	s6 =	sadd.s32 s21, s4  }
0x9e: {  	[timem:s8], [sflag:s22] =	dma.local [hbm:s6], s20  }
0x9f: {  	_ =	swait.ge [sflag:s22], s20  }
0xa0: {  	s5 =	ssub.s32 $0x0, s20;
	[sflag:s22] =	ssyncset.done $0x0  }
0xa1: {  	[sflag:s22] =	ssyncadd.s32 s5;
	_ =	sdelay $0x1  }
0xa2: {  	s23 =	simm.s32 $0x1B8B  }
0xa3: {  	_ =	swait.ge [sflag:s23], $0x1  }
0xa4: {  	[sflag:s23] =	ssyncset.done $0x0  }
0xa5: {  	s25 =	simm.s32 $0x1B8E;
	s24 =	sld [smem:$0x3FFE];
	[sflag:s23] =	ssyncadd.s32 $0xFFFFFFFF  }
0xa6: {  	s26 =	simm.s32 $execute0_lowered;
	[smem:$0x3FD2] =	sst s25  }
0xa7: {  	s6 =	sshll.u32 s26, $0x1;
	_ =	strace $0x80000046;
	[dreg:$0x1] =	wrdreg $0xFFFFFFFF  }
0xa8: {  	s28 =	simm.s32 $_size_execute0_lowered;
	s4 =	sadd.s32 s4, s6;
	[dreg:$0x0] =	wrdreg $0x0  }
0xa9: {  	s6 =	sshll.u32 s28, $0x1;
	[dreg:$0x2] =	wrdreg s4  }
0xaa: {  	[dreg:$0x3] =	wrdreg s6  }
0xab: {  	[dreg:$0x4] =	wrdreg $0xC0  }
0xac: {  	_ =	task [dreg:s8], $0x5FFFF  }
0xad: {  	[dreg:$0x1] =	wrdreg $0xFFFFFFFF  }
0xae: {  	[dreg:$0x0] =	wrdreg $0x60  }
0xaf: {  	[dreg:$0x2] =	wrdreg s2  }
0xb0: {  	[dreg:$0x3] =	wrdreg s18  }
0xb1: {  	[dreg:$0x4] =	wrdreg s24  }
0xb2: {  	[dreg:$0x5] =	wrdreg $0x9  }
0xb3: {  	_ =	task.clear_ibuf [dreg:s8], $0x6FFFF;
	_ =	strace $0x90000046  }
0xb4: {  	s29 =	simm.s32 $0x9;
	_ =	strace $0x80000048  }
0xb5: {  	_ =	swait.ge [sflag:s29], $0x1  }
0xb6: {  	[sflag:s29] =	ssyncadd.s32 $0xFFFFFFFF  }
0xb7: {  	_ =	strace $0x90000048  }
0xb8: {  	_ =	sfence  }
0xb9: {  	s30 =	sld [smem:$0x0];
	_ =	sdelay $0x2  }
0xba: {  	s31 =	sshll.u32 s1, $0xD;
	s1 =	sshrl.u32 s1, $0x2  }
0xbb: {  	s3 =	sand.u32 $0x4000, s31;
	s1 =	sadd.s32 s1, s30  }
0xbc: {  	s0 =	sor.u32 s3, s0;
	s1 =	sshll.u32 s1, $0x11  }
0xbd: {  	s0 =	sor.u32 s1, s0  }
0xbe: {  	s0 =	sadd.s32 $0x8F2B, s0  }
0xbf: {  	[sflag:s0] =	ssyncadd.remote.s32 $0x1  }
0xc0: {  	_ =	sfence.sel $0xFFFF  }
0xc1: {  	[dreg:$0x0] =	wrdreg $0xFFFFFFFF;
	(pc) =	sbr.abs _section_cstart, $3  }
0xc2: {  	[dreg:$0x1] =	wrdreg $0xFFFFFFFF  }
0xc3: {  	_ =	task.clear_ibuf [dreg:s8], $0x2FFFF;
	_ =	strace $0x9FFFFFFF  }
0xc4: {  	(tm) =	ssettm $0x7FFFFFFF  }
0xc5: {  	_ =	shalt  }
tec
execute0_lowered:
.L_overlay_start_1:
0x0: {  	(tag) =	ssettag $0x1  }
0x1: {  	s5 =	rddreg [dreg:$0x0]  }
0x2: {  	s6 =	rddreg [dreg:$0x1]  }
0x3: {  	s7 =	rddreg [dreg:$0x2]  }
0x4: {  	s0 =	rddreg [dreg:$0x3]  }
0x5: {  	s2 =	simm.s32 $0x0;
	s3 =	srdreg.scid;
	s1 =	stileid.u32  }
0x6: {  	s11 =	simm.s32 $0x100;
	s12 =	simm.s32 $0x400;
	s13 =	simm.s32 $0x8400  }
0x7: {  	s14 =	simm.s32 $0x1;
	s15 =	simm.s32 $0x10400;
	s16 =	simm.s32 $0x0  }
0x8: {  	[smem:$0x7FF] =	sst s2;
	s3 =	sand.u32 $0x1, s3;
	s4 =	sshll.u32 s1, $0x7  }
0x9: {  	_ =	strace $0x80000047;
	s8 =	sshll.u32 s3, $0x6;
	s9 =	ssub.s32 $0x2, s3  }
0xa: {  	s3 =	sadd.s32 $0x4800, s7;
	s8 =	sor.u32 s8, s4;
	s10 =	sshrl.u32 s9, $0x1  }
0xb: {  	s4 =	sadd.s32 $0x800, s7;
	s7 =	sadd.s32 s8, s7;
	s9 =	ssub.s32 s9, s10  }
0xc: {  	s5 =	sadd.s32 s5, s8;
	s6 =	sadd.s32 s6, s8;
	s10 =	simm.s32 $0x200  }
0xd: {  	vm0 =	vcmask $0x3F3C;
	s7 =	sadd.s32 $0x2BA00, s7;
	s8 =	smax.u32 s9, $0x1;
	s9 =	simm.s32 $0x2  }
.LBB2_1:
0xe: {  	[tilespmem:s2], [sflag:$0x2] =	stream.linear.gather [hbm4b:s5+s2], $0x200, $0x38;
	[tilespmem:$0x10600] =	vst v63  }
0xf: {  	_ =	swait.ge [sflag:s9], $0x200  }
0x10: {  	[sflag:s9] =	ssyncset.done $0x0  }
0x11: {  	[sflag:s9] =	ssyncadd.s32 $0xFFFFFE00  }
0x12: {  	[tilespmem:s10], [sflag:$0x2] =	stream.linear.gather [hbm4b:s6+s2], $0x200, $0x38;
	[tilespmem:$0x10600] =	vst v63  }
0x13: {  	_ =	swait.ge [sflag:s9], $0x200  }
0x14: {  	[sflag:s9] =	ssyncset.done $0x0  }
0x15: {  	p1 =	por $0x1, $0x1;
	s17 =	simm.s32 $0x0;
	[sflag:s9] =	ssyncadd.s32 $0xFFFFFE00  }
.LBB2_2:
0x16: {  	[tilespmem:s12], [sflag:$0x1] =	stream.indirect.gather [hbm4b:s3+s11], $0x80, s17, s11, $0xb8;
	[tilespmem:$0x10600] =	vst v63  }
0x17: {  	s18 =	sadd.s32 $0x200, s17  }
0x18: {  	[tilespmem:s13], [sflag:$0x1] =	stream.indirect.gather [hbm4b:s4+s11], $0x80, s18, s11, $0xb8;
	[tilespmem:$0x10600] =	vst v63  }
0x19: {  	_ =	swait.ge [sflag:s14], $0x8000  }
0x1a: {  	[sflag:s14] =	ssyncset.done $0x0  }
0x1b: {  	[sflag:s14] =	ssyncadd.s32 $0xFFFF8000  }
0x1c: {  	_ =	swait.ge [sflag:s14], $0x8000  }
0x1d: {  	[sflag:s14] =	ssyncset.done $0x0  }
0x1e: {  	s19 =	simm.s32 $0x500;
	[sflag:s14] =	ssyncadd.s32 $0xFFFF8000  }
0x1f: {  	s18 =	simm.s32 $0x8500;
	v0 =	vld [tilespmem:s19+$0x80]  }
0x20: {  	v1 =	vld [tilespmem:s18+$0x80]  }
0x21: {  	v2 =	vld [tilespmem:s19+$0x90]  }
0x22: {  	v3 =	vld [tilespmem:s18+$0x90]  }
0x23: {  	v4 =	vld [tilespmem:s19+$0xA0]  }
0x24: {  	v5 =	vld [tilespmem:s18+$0xA0]  }
0x25: {  	v6 =	vld [tilespmem:s19+$0xB0]  }
0x26: {  	v7 =	vld [tilespmem:s18+$0xB0]  }
0x27: {  	v8 =	vld [tilespmem:s18+$0xFFFFFF00]  }
0x28: {  	v9 =	vld [tilespmem:s19+$0xFFFFFF10]  }
0x29: {  	v10 =	vld [tilespmem:s18+$0xFFFFFF10]  }
0x2a: {  	v11 =	vld [tilespmem:s18+$0x10]  }
0x2b: {  	v12 =	vld [tilespmem:s19+$0xFFFFFF20];
	v0 =	vmul.f32 v1, v0;
	v1 =	vmul.f32 v3, v2  }
0x2c: {  	v13 =	vld [tilespmem:s18+$0xFFFFFF20]  }
0x2d: {  	v14 =	vld [tilespmem:s19+$0xFFFFFFA0];
	v0 =	vadd.f32 v1, v0;
	v1 =	vmul.f32 v5, v4  }
0x2e: {  	v2 =	vld [tilespmem:s19+$0xFFFFFF80]  }
0x2f: {  	v3 =	vld [tilespmem:s18+$0xFFFFFF80];
	v0 =	vadd.f32 v1, v0;
	v1 =	vmul.f32 v7, v6  }
0x30: {  	v4 =	vld [tilespmem:s19+$0xFFFFFF90]  }
0x31: {  	v5 =	vld [tilespmem:s18+$0xFFFFFF90];
	v0 =	vadd.f32 v1, v0  }
0x32: {  	v6 =	vld [tilespmem:s19+$0x0]  }
0x33: {  	v7 =	vld [tilespmem:s18+$0x0];
	(xrf2) =	vadd.scan.msk.f32 $0xffff, v0  }
0x34: {  	v1 =	vld [tilespmem:s19+$0x10]  }
0x35: {  	v0 =	vld [tilespmem:s19+$0xFFFFFF00]  }
0x36: {  	v15 =	vld [tilespmem:s18+$0xFFFFFFA0]  }
0x37: {  	s20 =	sadd.s32 $0xFFFFFFFC, s17;
	v12 =	vmul.f32 v13, v12  }
0x38: {  	s21 =	sadd.s32 $0x7, s20;
	v16 =	vld [tilespmem:s19+$0x20];
	v2 =	vmul.f32 v3, v2;
	v3 =	vmul.f32 v5, v4  }
0x39: {  	s22 =	sadd.s32 $0x4, s20;
	s23 =	sadd.s32 $0x5, s20;
	s20 =	sadd.s32 $0x6, s20;
	v17 =	vld [tilespmem:s18+$0x20];
	v4 =	vmul.f32 v10, v9;
	v6 =	vmul.f32 v7, v6;
	v7 =	vmov s21  }
0x3a: {  	v5 =	vld [tilespmem:s18+$0xFFFFFF30];
	v11 =	vmul.f32 v11, v1;
	v1 =	vmov s20;
	v0 =	vmul.f32 v8, v0  }
0x3b: {  	v13 =	vmul.f32 v15, v14;
	v10 =	vmov s23;
	v9 =	vadd.f32 v3, v2;
	v3 =	vld [tilespmem:s19+$0xFFFFFF30]  }
0x3c: {  	v10 =	vand.u32 $0xFFFFFFFD, v10;
	v2 =	vmov s22;
	v8 =	vld [tilespmem:s18+$0xFFFFFFB0];
	v18 =	vadd.f32 v4, v0  }
0x3d: {  	v2 =	vand.u32 $0xFFFFFFFC, v2;
	v6 =	vadd.f32 v11, v6;
	v4 =	vld [tilespmem:s19+$0xFFFFFFB0];
	v0 =	vand.u32 $0xFFFFFFFE, v1;
	v1, _, _ =	vpop (xrf2)  }
0x3e: {  	v11 =	vld [tilespmem:s18+$0x30];
	[tilespmem:v7+s15+$0x0] =	vst.idx.msk vm0, v1;
	v1 =	vbroadcast v10, $0x0;
	v10 =	vadd.f32 v12, v18;
	v12 =	vmul.f32 v17, v16  }
0x3f: {  	p0 =	por p1, p1;
	v2 =	vbroadcast v2, $0x0;
	v9 =	vadd.f32 v13, v9;
	s20 =	simm.s32 $0x700;
	v0 =	vbroadcast v0, $0x0;
	v7 =	vld [tilespmem:s19+$0x30];
	s19 =	simm.s32 $0x0  }
.LBB2_3:
0x40: {  	v13 =	vld [tilespmem:s20+$0x80];
	v3 =	vmul.f32 v5, v3;
	v5 =	vadd.f32 v12, v6;
	s18 =	sadd.s32 $0x200, s18;
	s21 =	smov.u32 s19  }
0x41: {  	v6 =	vld [tilespmem:s18+$0x80]  }
0x42: {  	v12 =	vld [tilespmem:s20+$0x90];
	v3 =	vadd.f32 v3, v10;
	v4 =	vmul.f32 v8, v4  }
0x43: {  	s19 =	sadd.s32 $0x4, s19;
	v8 =	vld [tilespmem:s18+$0x90]  }
0x44: {  	p1 =	slt.u32 s19, $0xFC;
	v10 =	vld [tilespmem:s20+$0xA0];
	v4 =	vadd.f32 v4, v9;
	v7 =	vmul.f32 v11, v7;
	(xrf2) =	vadd.scan.msk.f32 $0xffff, v3  }
0x45: {  	v3 =	vld [tilespmem:s18+$0xA0]  }
0x46: {  	v9 =	vld [tilespmem:s20+$0xB0];
	v5 =	vadd.f32 v7, v5  }
0x47: {  	v7 =	vld [tilespmem:s18+$0xB0];
	(xrf2) =	vadd.scan.msk.f32 $0xffff, v4  }
0x48: {  	v6 =	vmul.f32 v6, v13;
	v4 =	vld [tilespmem:s18+$0xFFFFFF00];
	v8 =	vmul.f32 v8, v12  }
0x49: {  	v11 =	vld [tilespmem:s20+$0xFFFFFF10]  }
0x4a: {  	v12 =	vld [tilespmem:s18+$0xFFFFFF10];
	v6 =	vadd.f32 v8, v6;
	v3 =	vmul.f32 v3, v10;
	(xrf2) =	vadd.scan.msk.f32 $0xffff, v5  }
0x4b: {  	v5 =	vld [tilespmem:s20+$0xFFFFFF80]  }
0x4c: {  	v8 =	vld [tilespmem:s18+$0xFFFFFF80];
	v3 =	vadd.f32 v3, v6;
	v10 =	vmul.f32 v7, v9  }
0x4d: {  	v7 =	vld [tilespmem:s20+$0xFFFFFF90]  }
0x4e: {  	v9 =	vld [tilespmem:s18+$0xFFFFFF90];
	v3 =	vadd.f32 v10, v3;
	v6, _, _ =	vpop (xrf2)  }
0x4f: {  	v10 =	vmul.f32 v12, v11;
	v11 =	vld [tilespmem:s20+$0x0];
	[tilespmem:v2+s15+$0x0] =	vst.idx.msk vm0, v6  }
0x50: {  	v2 =	vld [tilespmem:s18+$0x0];
	(xrf2) =	vadd.scan.msk.f32 $0xffff, v3  }
0x51: {  	v3 =	vmul.f32 v8, v5;
	v5 =	vld [tilespmem:s20+$0x10];
	v6, _, _ =	vpop (xrf2)  }
0x52: {  	v8 =	vld [tilespmem:s18+$0x10];
	[tilespmem:v1+s15+$0x0] =	vst.idx.msk vm0, v6  }
0x53: {  	v1 =	vld [tilespmem:s20+$0xFFFFFF00];
	v6 =	vmul.f32 v9, v7  }
0x54: {  	s21 =	sadd.s32 s21, s17;
	v7 =	vld [tilespmem:s20+$0xFFFFFF20];
	v9, _, _ =	vpop (xrf2)  }
0x55: {  	s22 =	sadd.s32 $0x4, s21;
	s23 =	sadd.s32 $0x5, s21;
	s24 =	sadd.s32 $0x7, s21;
	v12 =	vld [tilespmem:s18+$0xFFFFFF20];
	v13 =	vadd.f32 v6, v3;
	v3 =	vmul.f32 v2, v11;
	[tilespmem:v0+s15+$0x0] =	vst.idx.msk vm0, v9  }
0x56: {  	s21 =	sadd.s32 $0x6, s21;
	v0 =	vmov s22;
	v2 =	vmov s23;
	v11 =	vmov s24;
	v9 =	vld [tilespmem:s20+$0xFFFFFFA0]  }
0x57: {  	v6 =	vmov s21;
	v0 =	vand.u32 $0xFFFFFFFC, v0;
	v14 =	vld [tilespmem:s18+$0xFFFFFFA0];
	v5 =	vmul.f32 v8, v5  }
0x58: {  	v17 =	vand.u32 $0xFFFFFFFE, v6;
	v4 =	vmul.f32 v4, v1;
	v1 =	vand.u32 $0xFFFFFFFD, v2;
	v15 =	vld [tilespmem:s20+$0x20]  }
0x59: {  	v2 =	vbroadcast v0, $0x0;
	v1 =	vbroadcast v1, $0x0;
	v6 =	vadd.f32 v5, v3;
	v16 =	vld [tilespmem:s18+$0x20]  }
0x5a: {  	v0 =	vbroadcast v17, $0x0;
	v4 =	vadd.f32 v10, v4;
	v7 =	vmul.f32 v12, v7;
	v3 =	vld [tilespmem:s20+$0xFFFFFF30];
	v8, _, _ =	vpop (xrf2)  }
.Ltmp0:
0x5b: {  	v5 =	vld [tilespmem:s18+$0xFFFFFF30];
	[tilespmem:v11+s15+$0x0] =	vst.idx.msk vm0, v8;
	(pc) =	sbr.rel @p1 .LBB2_3-.Ltmp0, $4  }
0x5c: {  	v10 =	vadd.f32 v7, v4;
	v7 =	vmul.f32 v14, v9;
	v4 =	vld [tilespmem:s20+$0xFFFFFFB0]  }
0x5d: {  	v8 =	vld [tilespmem:s18+$0xFFFFFFB0]  }
0x5e: {  	v9 =	vadd.f32 v7, v13;
	v12 =	vmul.f32 v16, v15;
	v7 =	vld [tilespmem:s20+$0x30]  }
0x5f: {  	s20 =	sadd.s32 $0x200, s20;
	v11 =	vld [tilespmem:s18+$0x30]  }
0x60: {  	_ =	sdelay $0x1  }
0x61: {  	v3 =	vmul.f32 v5, v3  }
0x62: {  	v4 =	vmul.f32 v8, v4  }
0x63: {  	v58 =	vadd.f32 v12, v6;
	v3 =	vadd.f32 v3, v10;
	v59 =	vmul.f32 v11, v7  }
0x64: {  	v4 =	vadd.f32 v4, v9  }
0x65: {  	(xrf2) =	vadd.scan.msk.f32 $0xffff, v3;
	v60 =	vadd.f32 v59, v58  }
0x66: {  	(xrf2) =	vadd.scan.msk.f32 $0xffff, v4  }
0x67: {  	(xrf2) =	vadd.scan.msk.f32 $0xffff, v60;
	_ =	sdelay $0x6  }
.Ltmp1:
0x68: {  	_ = 	snop;
	(pc) =	sbr.rel @p0 .LBB2_2-.Ltmp1, $4  }
0x69: {  	v61, _, _ =	vpop (xrf2)  }
0x6a: {  	[tilespmem:v2+s15+$0x0] =	vst.idx.msk vm0, v61;
	v62, _, _ =	vpop (xrf2)  }
0x6b: {  	[tilespmem:v1+s15+$0x0] =	vst.idx.msk vm0, v62;
	v63, _, _ =	vpop (xrf2)  }
0x6c: {  	s17 =	simm.s32 $0x100;
	p1 =	por $0x0, $0x0;
	[tilespmem:v0+s15+$0x0] =	vst.idx.msk vm0, v63  }
0x6d: {  	s16 =	sadd.s32 $0x1, s16  }
0x6e: {  	p0 =	sne.s32 s16, s8  }
.Ltmp2:
0x6f: {  	_ = 	snop;
	(pc) =	sbr.rel @p0 .LBB2_1-.Ltmp2, $4  }
0x70: {  	[hbm4b:s7+s2] =	stream.linear.scatter [tilespmem:s15], [sflag:$0x2], $0x200, $0x38;
	[tilespmem:$0x10600] =	vst v63  }
0x71: {  	_ =	swait.ge [sflag:s9], $0x200  }
0x72: {  	[sflag:s9] =	ssyncset.done $0x0  }
0x73: {  	[sflag:s9] =	ssyncadd.s32 $0xFFFFFE00  }
0x74: {  	_ =	sfence.sel $0x180000  }
0x75: {  	[bflag:$0x0] =	sbarrier.arrive $0xFFFF  }
0x76: {  	p0 =	sne.s32 s1, $0x0;
	_ =	strace $0x90000047  }
0x77: {  	s0 =	sadd.s32 @!p0 $0x100000, s0;
	[bflag:$0x2] =	sbarrier.arrive $0xFFFF  }
0x78: {  	[sflag:s0] =	ssyncadd.tile.s32 @!p0 $0x1;
	_ =	shalt  }
.Lfunc_end2:
_tile_overlayer_lowered:
.L_overlay_start_2:
0x79: {  	(tag) =	ssettag $0x2  }
0x7a: {  	s0 =	rddreg [dreg:$0x0];
	s2 =	stileid.u32  }
0x7b: {  	s1 =	rddreg [dreg:$0x1];
	p0 =	sne.s32 s2, $0x0  }
0x7c: {  	s3 =	rddreg [dreg:$0x2];
	[bflag:$0x3] =	sbarrier.arrive $0xFFFF;
	s2 =	simm.s32 @!p0 $0x1C02  }
0x7d: {  	[timem:s3], [sflag:s2] =	dma.local @!p0 [hbm:s0], s1  }
0x7e: {  	s0 =	simm.s32 @!p0 $0x2  }
0x7f: {  	_ =	swait.ge @!p0 [sflag:s0], s1  }
0x80: {  	s1 =	ssub.s32 @!p0 $0x0, s1;
	[sflag:s0] =	ssyncset.done @!p0 $0x0  }
0x81: {  	[sflag:s0] =	ssyncadd.s32 @!p0 s1  }
0x82: {  	[bflag:$0x3] =	sbarrier.arrive $0xFFFF  }
0x83: {  	_ =	shalt  }

// kernel: _svd_sc.8.cloned.1.call-start
scs
__scs_entry_jumppad:
0x0: {  	(pc) =	sbr.rel $0x88, $3  }
0x1: {  	(tag) =	ssettag $0x0;
	lr =	simm.s32 $0x1  }
0x2: {  	[smem:$0x3F9B] =	sst lr;
	_ =	strace $0xD0000000  }
0x3: {  	_ = 	snop  }
0x4: {  	_ = 	snop  }
0x5: {  	_ = 	snop  }
0x6: {  	_ = 	snop  }
0x7: {  	_ = 	snop  }
__scs_overlays_trampoline_lowered:
0x8: {  	[smem:$0x3FAA] =	sst s0  }
0x9: {  	[smem:$0x3FAB] =	sst s1  }
0xa: {  	[smem:$0x3FAC] =	sst s2  }
0xb: {  	[smem:$0x3FAD] =	sst s3  }
0xc: {  	[smem:$0x3FAE] =	sst s4  }
0xd: {  	[smem:$0x3FAF] =	sst s5  }
0xe: {  	[smem:$0x3FB0] =	sst s6  }
0xf: {  	[smem:$0x3FB1] =	sst s7  }
0x10: {  	[smem:$0x3FB2] =	sst s8  }
0x11: {  	[smem:$0x3FB3] =	sst s9;
	s0 =	simm.s32 @!p0 $0x0  }
0x12: {  	s1 =	sld [smem:$0x3F99];
	s0 =	simm.s32 @p0 $0x1  }
0x13: {  	[smem:$0x3FB4] =	sst s0;
	s0 =	simm.s32 @!p1 $0x0  }
0x14: {  	s2 =	sld [smem:$0x3F98];
	s0 =	simm.s32 @p1 $0x1  }
0x15: {  	[smem:$0x3FB5] =	sst s0;
	s0 =	simm.s32 @!p2 $0x0  }
0x16: {  	s3 =	sld [smem:$0x3FDB];
	s0 =	simm.s32 @p2 $0x1  }
0x17: {  	s4 =	simm.s32 $0x1BF5;
	[smem:$0x3FB7] =	sst s0  }
0x18: {  	s0 =	sld [smem:$0x3F9A];
	_ =	swait.ge [sflag:s4], $0x0  }
0x19: {  	s7 =	sld [smem:$0x3F9B]  }
0x1a: {  	s8 =	sadd.s32 $0xFFFFE003, lr  }
0x1b: {  	s9 =	sadd.s32 $0xFFFFFEF7, lr;
	s5 =	simm.s32 $0xFFFFFFFF;
	p2 =	slt.u32 s8, $0xFFFFF086  }
0x1c: {  	p1 =	slt.u32 s9, $0xF7A;
	s5 =	simm.s32 @!p2 $0x0  }
0x1d: {  	s5 =	simm.s32 @p1 $0x1;
	p0 =	seq.s32 s7, s2  }
0x1e: {  	s7 =	smul.u32 @!p0 $0xF7A, s2;
	p2 =	seq.s32 @!p0 s5, $0x0  }
0x1f: {  	s9 =	smul.u32 $0xF7A, s1;
	s8 =	simm.s32 @!p0 $0x1BF5;
	p2 =	por !p2, p0  }
0x20: {  	[sflag:s8] =	ssyncset.s32 @!p0 $0xFFFFF086;
	s6 =	sadd.s32 @!p0 s3, s7;
	s7 =	simm.s32 @!p0 $0x108  }
0x21: {  	s3 =	sadd.s32 s3, s9;
	s6 =	sadd.s32 @!p0 $0x88, s6;
	s7 =	simm.s32 @p2 $0x1082  }
0x22: {  	[simem:s7], [sflag:s8] =	dma.local @!p0 [hbm:s6], $0xF7A  }
0x23: {  	s9 =	sor.u32 $0xD0000000, s2;
	s6 =	simm.s32 $0x108;
	_ =	swait.ge @!p0 [sflag:s8], $0x0  }
0x24: {  	s3 =	sadd.s32 $0x88, s3;
	s6 =	simm.s32 @!p1 $0x1082;
	[sflag:s4] =	ssyncset.s32 $0xFFFFF086  }
0x25: {  	[simem:s6], [sflag:s4] =	dma.local [hbm:s3], $0xF7A  }
0x26: {  	[smem:$0x3F9B] =	sst s1;
	(tag) =	ssettag s2;
	_ =	strace s9  }
0x27: {  	s1 =	sld [smem:$0x3FAB]  }
0x28: {  	s2 =	sld [smem:$0x3FAC]  }
0x29: {  	s4 =	sld [smem:$0x3FAE]  }
0x2a: {  	p0 =	seq.s32 s5, $0x0;
	s5 =	sld [smem:$0x3FAF]  }
0x2b: {  	s6 =	sld [smem:$0x3FB0]  }
0x2c: {  	s7 =	sld [smem:$0x3FB1]  }
0x2d: {  	s3 =	simm.s32 $0x108;
	s8 =	sld [smem:$0x3FB2]  }
0x2e: {  	s3 =	simm.s32 @!p0 $0x1082;
	s9 =	sld [smem:$0x3FB3]  }
0x2f: {  	lr =	sadd.s32 s0, s3;
	s0 =	sld [smem:$0x3FAA]  }
0x30: {  	s3 =	sld [smem:$0x3FAD]  }
0x31: {  	[smem:$0x3FB6] =	sst s10  }
0x32: {  	s10 =	sld [smem:$0x3FB4];
	_ =	sdelay $0x3  }
0x33: {  	p0 =	seq.s32 s10, $0x1;
	s10 =	sld [smem:$0x3FB6];
	_ =	sdelay $0x3  }
0x34: {  	[smem:$0x3FB6] =	sst s10  }
0x35: {  	s10 =	sld [smem:$0x3FB5];
	_ =	sdelay $0x3  }
0x36: {  	p1 =	seq.s32 s10, $0x1;
	s10 =	sld [smem:$0x3FB6];
	_ =	sdelay $0x3  }
0x37: {  	[smem:$0x3FB6] =	sst s10  }
0x38: {  	s10 =	sld [smem:$0x3FB7]  }
0x39: {  	_ = 	snop;
	(pc) =	sbr.ind lr, $3  }
0x3a: {  	_ = 	snop  }
0x3b: {  	_ = 	snop  }
0x3c: {  	p2 =	seq.s32 s10, $0x1;
	s10 =	sld [smem:$0x3FB6]  }
0x3d: {  	_ =	shalt  }
0x3e: {  	_ =	shalt  }
0x3f: {  	_ =	shalt  }
0x40: {  	_ =	shalt  }
0x41: {  	_ =	shalt  }
0x42: {  	_ =	shalt  }
0x43: {  	_ =	shalt  }
0x44: {  	_ =	shalt  }
0x45: {  	_ =	shalt  }
0x46: {  	_ =	shalt  }
0x47: {  	_ =	shalt  }
0x48: {  	_ =	shalt  }
0x49: {  	_ =	shalt  }
0x4a: {  	_ =	shalt  }
0x4b: {  	_ =	shalt  }
0x4c: {  	_ =	shalt  }
0x4d: {  	_ =	shalt  }
0x4e: {  	_ =	shalt  }
0x4f: {  	_ =	shalt  }
0x50: {  	_ =	shalt  }
0x51: {  	_ =	shalt  }
0x52: {  	_ =	shalt  }
0x53: {  	_ =	shalt  }
0x54: {  	_ =	shalt  }
0x55: {  	_ =	shalt  }
0x56: {  	_ =	shalt  }
0x57: {  	_ =	shalt  }
0x58: {  	_ =	shalt  }
0x59: {  	_ =	shalt  }
0x5a: {  	_ =	shalt  }
0x5b: {  	_ =	shalt  }
0x5c: {  	_ =	shalt  }
0x5d: {  	_ =	shalt  }
0x5e: {  	_ =	shalt  }
0x5f: {  	_ =	shalt  }
0x60: {  	_ =	shalt  }
0x61: {  	_ =	shalt  }
0x62: {  	_ =	shalt  }
0x63: {  	_ =	shalt  }
0x64: {  	_ =	shalt  }
0x65: {  	_ =	shalt  }
0x66: {  	_ =	shalt  }
0x67: {  	_ =	shalt  }
0x68: {  	_ =	shalt  }
0x69: {  	_ =	shalt  }
0x6a: {  	_ =	shalt  }
0x6b: {  	_ =	shalt  }
0x6c: {  	_ =	shalt  }
0x6d: {  	_ =	shalt  }
0x6e: {  	_ =	shalt  }
0x6f: {  	_ =	shalt  }
0x70: {  	_ =	shalt  }
0x71: {  	_ =	shalt  }
0x72: {  	_ =	shalt  }
0x73: {  	_ =	shalt  }
0x74: {  	_ =	shalt  }
0x75: {  	_ =	shalt  }
0x76: {  	_ =	shalt  }
0x77: {  	_ =	shalt  }
0x78: {  	_ =	shalt  }
0x79: {  	_ =	shalt  }
0x7a: {  	_ =	shalt  }
0x7b: {  	_ =	shalt  }
0x7c: {  	_ =	shalt  }
0x7d: {  	_ =	shalt  }
0x7e: {  	_ =	shalt  }
0x7f: {  	_ =	shalt  }
0x80: {  	_ =	shalt  }
0x81: {  	_ =	shalt  }
0x82: {  	_ =	shalt  }
0x83: {  	_ =	shalt  }
0x84: {  	_ =	shalt  }
0x85: {  	_ =	shalt  }
0x86: {  	_ =	shalt  }
0x87: {  	_ =	shalt  }
.Lfunc_end0:
.L_simem_size_0:
called_computation.1_lowered:
.L_overlay_start_0:
0x88: {  	s2 =	sld [smem:$0x3FD9]  }
0x89: {  	s3 =	sld [smem:$0x3FFE];
	_ =	sdelay $0x1  }
0x8a: {  	s1 =	srdreg.scid  }
0x8b: {  	s0 =	sand.u32 $0x1, s1  }
0x8c: {  	s17 =	sshll.u32 s0, $0xA;
	s2 =	sadd.s32 s3, s2  }
0x8d: {  	s2 =	sadd.s32 s2, s17  }
0x8e: {  	[smem:$0x3FC2] =	sst s2  }
0x8f: {  	_ = 	snop  }
0x90: {  	s2 =	sld [smem:$0x3FC9]  }
0x91: {  	s18 =	sld [smem:$0x3FC8]  }
0x92: {  	s4 =	sld [smem:$0x3FC7]  }
0x93: {  	s5 =	sld [smem:$0x3FD0];
	(tm) =	ssettm $0x1  }
0x94: {  	s6 =	sld [smem:$0x3FFB];
	_ =	sdelay $0x3  }
0x95: {  	_ =	strace s6  }
0x96: {  	s6 =	sld [smem:$0x3FFC];
	_ =	sdelay $0x3  }
0x97: {  	_ =	strace s6  }
0x98: {  	s6 =	sld [smem:$0x3FFD];
	_ =	sdelay $0x3  }
0x99: {  	_ =	strace s6  }
0x9a: {  	_ =	strace $0x8FFFFFFF  }
0x9b: {  	s19 =	sld [smem:$0x3FDB];
	_ =	sdelay $0x1  }
0x9c: {  	s7 =	simm.s32 $_scs_section_size  }
0x9d: {  	s8 =	simm.s32 $_size__tile_overlayer_lowered;
	s9 =	simm.s32 $_tile_overlayer_lowered  }
0x9e: {  	s22 =	simm.s32 $0x1BFF;
	s21 =	sshll.u32 s9, $0x1;
	s6 =	sadd.s32 s7, s19  }
0x9f: {  	s10 =	simm.s32 $0x0;
	s20 =	sshll.u32 s8, $0x1;
	s8 =	sadd.s32 s21, s6  }
0xa0: {  	[timem:s10], [sflag:s22] =	dma.local [hbm:s8], s20  }
0xa1: {  	_ =	swait.ge [sflag:s22], s20  }
0xa2: {  	s7 =	ssub.s32 $0x0, s20;
	[sflag:s22] =	ssyncset.done $0x0  }
0xa3: {  	[sflag:s22] =	ssyncadd.s32 s7;
	_ =	sdelay $0x1  }
0xa4: {  	s23 =	simm.s32 $0x1B8B  }
0xa5: {  	_ =	swait.ge [sflag:s23], $0x1  }
0xa6: {  	[sflag:s23] =	ssyncset.done $0x0  }
0xa7: {  	s25 =	simm.s32 $0x1B8E;
	s24 =	sld [smem:$0x3FFE];
	[sflag:s23] =	ssyncadd.s32 $0xFFFFFFFF  }
0xa8: {  	s26 =	simm.s32 $execute0_lowered;
	[smem:$0x3FD2] =	sst s25  }
0xa9: {  	s8 =	sshll.u32 s26, $0x1;
	_ =	strace $0x80000049;
	[dreg:$0x1] =	wrdreg $0xFFFFFFFF  }
0xaa: {  	s28 =	simm.s32 $_size_execute0_lowered;
	s6 =	sadd.s32 s6, s8;
	[dreg:$0x0] =	wrdreg $0x0  }
0xab: {  	s8 =	sshll.u32 s28, $0x1;
	[dreg:$0x2] =	wrdreg s6  }
0xac: {  	[dreg:$0x3] =	wrdreg s8  }
0xad: {  	[dreg:$0x4] =	wrdreg $0xC0  }
0xae: {  	_ =	task [dreg:s10], $0x5FFFF  }
0xaf: {  	[dreg:$0x1] =	wrdreg $0xFFFFFFFF  }
0xb0: {  	[dreg:$0x0] =	wrdreg $0x60  }
0xb1: {  	[dreg:$0x2] =	wrdreg s2  }
0xb2: {  	[dreg:$0x3] =	wrdreg s18  }
0xb3: {  	[dreg:$0x4] =	wrdreg s4  }
0xb4: {  	[dreg:$0x5] =	wrdreg s24  }
0xb5: {  	[dreg:$0x6] =	wrdreg s5  }
0xb6: {  	[dreg:$0x7] =	wrdreg $0x9  }
0xb7: {  	_ =	task.clear_ibuf [dreg:s10], $0x8FFFF;
	_ =	strace $0x90000049  }
0xb8: {  	s29 =	simm.s32 $0x9;
	_ =	strace $0x8000004B  }
0xb9: {  	_ =	swait.ge [sflag:s29], $0x1  }
0xba: {  	[sflag:s29] =	ssyncadd.s32 $0xFFFFFFFF  }
0xbb: {  	_ =	strace $0x9000004B  }
0xbc: {  	_ =	sfence  }
0xbd: {  	s30 =	sld [smem:$0x0];
	_ =	sdelay $0x2  }
0xbe: {  	s31 =	sshll.u32 s1, $0xD;
	s1 =	sshrl.u32 s1, $0x2  }
0xbf: {  	s3 =	sand.u32 $0x4000, s31;
	s1 =	sadd.s32 s1, s30  }
0xc0: {  	s0 =	sor.u32 s3, s0;
	s1 =	sshll.u32 s1, $0x11  }
0xc1: {  	s0 =	sor.u32 s1, s0  }
0xc2: {  	s0 =	sadd.s32 $0x8F2B, s0  }
0xc3: {  	[sflag:s0] =	ssyncadd.remote.s32 $0x1  }
0xc4: {  	_ =	sfence.sel $0xFFFF  }
0xc5: {  	[dreg:$0x0] =	wrdreg $0xFFFFFFFF;
	(pc) =	sbr.abs _section_cstart, $3  }
0xc6: {  	[dreg:$0x1] =	wrdreg $0xFFFFFFFF  }
0xc7: {  	_ =	task.clear_ibuf [dreg:s10], $0x2FFFF;
	_ =	strace $0x9FFFFFFF  }
0xc8: {  	(tm) =	ssettm $0x7FFFFFFF  }
0xc9: {  	_ =	shalt  }
tec
execute0_lowered:
.L_overlay_start_1:
0x0: {  	(tag) =	ssettag $0x1  }
0x1: {  	s4 =	rddreg [dreg:$0x0]  }
0x2: {  	s5 =	rddreg [dreg:$0x1]  }
0x3: {  	s6 =	rddreg [dreg:$0x2]  }
0x4: {  	s3 =	rddreg [dreg:$0x3]  }
0x5: {  	s8 =	rddreg [dreg:$0x4]  }
0x6: {  	s0 =	rddreg [dreg:$0x5];
	s7 =	srdreg.scid  }
0x7: {  	s2 =	simm.s32 $0x0;
	s1 =	stileid.u32;
	s12 =	simm.s32 $0x400  }
0x8: {  	s13 =	simm.s32 $0x600;
	s14 =	simm.s32 $0x100;
	s15 =	simm.s32 $0x800  }
0x9: {  	s16 =	simm.s32 $0xC00;
	s17 =	simm.s32 $0x1;
	s18 =	simm.s32 $0x900  }
0xa: {  	s19 =	simm.s32 $0xA00;
	s20 =	simm.s32 $0x0;
	s7 =	sand.u32 $0x1, s7  }
0xb: {  	[smem:$0x7FF] =	sst s2;
	s9 =	sshll.u32 s1, $0x7;
	s10 =	sshll.u32 s7, $0x6  }
0xc: {  	_ =	strace $0x8000004A;
	s7 =	ssub.s32 $0x2, s7;
	s9 =	sor.u32 s10, s9  }
0xd: {  	s11 =	sshrl.u32 s7, $0x1;
	s10 =	sadd.s32 s9, s3;
	s3 =	sadd.s32 $0x2C200, s3  }
0xe: {  	s11 =	ssub.s32 s7, s11;
	s4 =	sadd.s32 s4, s9;
	s5 =	sadd.s32 s5, s9  }
0xf: {  	v0 =	vlaneseq.u32;
	s6 =	sadd.s32 s6, s9;
	s8 =	sadd.s32 s8, s9;
	s7 =	sadd.s32 $0x2BA00, s10  }
0x10: {  	v0 =	vmul.u32 $0x80, v0;
	s9 =	smax.u32 s11, $0x1;
	s10 =	simm.s32 $0x2;
	s11 =	simm.s32 $0x200  }
.LBB2_1:
0x11: {  	[tilespmem:s2], [sflag:$0x2] =	stream.linear.gather [hbm4b:s4+s2], $0x200, $0x38;
	[tilespmem:$0x8C00] =	vst v63  }
0x12: {  	_ =	swait.ge [sflag:s10], $0x200  }
0x13: {  	[sflag:s10] =	ssyncset.done $0x0  }
0x14: {  	[sflag:s10] =	ssyncadd.s32 $0xFFFFFE00  }
0x15: {  	[tilespmem:s11], [sflag:$0x2] =	stream.linear.gather [hbm4b:s5+s2], $0x200, $0x38;
	[tilespmem:$0x8C00] =	vst v63  }
0x16: {  	_ =	swait.ge [sflag:s10], $0x200  }
0x17: {  	[sflag:s10] =	ssyncset.done $0x0  }
0x18: {  	[sflag:s10] =	ssyncadd.s32 $0xFFFFFE00  }
0x19: {  	[tilespmem:s12], [sflag:$0x2] =	stream.linear.gather [hbm4b:s6+s2], $0x200, $0x38;
	[tilespmem:$0x8C00] =	vst v63  }
0x1a: {  	_ =	swait.ge [sflag:s10], $0x200  }
0x1b: {  	[sflag:s10] =	ssyncset.done $0x0  }
0x1c: {  	[sflag:s10] =	ssyncadd.s32 $0xFFFFFE00  }
0x1d: {  	[tilespmem:s13], [sflag:$0x2] =	stream.linear.gather [hbm4b:s7+s2], $0x200, $0x38;
	[tilespmem:$0x8C00] =	vst v63  }
0x1e: {  	_ =	swait.ge [sflag:s10], $0x200  }
0x1f: {  	[sflag:s10] =	ssyncset.done $0x0  }
0x20: {  	s21 =	simm.s32 $0x0;
	[sflag:s10] =	ssyncadd.s32 $0xFFFFFE00  }
0x21: {  	v1 =	vld [tilespmem:s21+$0x0];
	_ =	sdelay $0x2  }
0x22: {  	s22 =	simm.s32 $0x40;
	v2 =	vld [tilespmem:s21+$0x200]  }
.LBB2_2:
0x23: {  	p0 =	sne.s32 s22, $0x7C0  }
.Ltmp0:
0x24: {  	s23 =	sshra.s32 s22, $0x2;
	s22 =	sadd.s32 $0x40, s22;
	v3 =	vshrl.u32 v1, $0x7;
	(pc) =	sbr.rel @p0 .LBB2_2-.Ltmp0, $3  }
0x25: {  	v1 =	vld [tilespmem:s23+$0x0];
	v3 =	vmul.u32 $0x3E8, v3;
	_ =	sdelay $0x1  }
0x26: {  	v3 =	vadd.s32 v2, v3  }
0x27: {  	v2 =	vld [tilespmem:s23+$0x200];
	[tilespmem:s21+$0x800] =	vst v3;
	s21 =	smov.u32 s23  }
0x28: {  	_ = 	snop  }
0x29: {  	v1 =	vshrl.u32 v1, $0x7  }
0x2a: {  	v1 =	vmul.u32 $0x3E8, v1;
	_ =	sdelay $0x1  }
0x2b: {  	v1 =	vadd.s32 v2, v1  }
0x2c: {  	[tilespmem:s21+$0x800] =	vst v1  }
0x2d: {  	[tilespmem:s16], [sflag:$0x1] =	stream.indirect.gather [hbm4b:s3+s14], $0x80, s15, s14, $0xb8;
	[tilespmem:$0x8C00] =	vst v63  }
0x2e: {  	_ =	swait.ge [sflag:s17], $0x8000  }
0x2f: {  	[sflag:s17] =	ssyncset.done $0x0  }
0x30: {  	s31 =	simm.s32 $0x0;
	[sflag:s17] =	ssyncadd.s32 $0xFFFF8000  }
0x31: {  	v1 =	vld [tilespmem:s31+$0x0];
	_ =	sdelay $0x2  }
0x32: {  	v2 =	vmov s31  }
0x33: {  	v2 =	vshll.u32 v2, $0x7  }
0x34: {  	v2 =	vor.u32 v0, v2;
	v1 =	vand.u32 $0x7F, v1  }
0x35: {  	v1 =	vor.u32 v2, v1;
	_ =	sdelay $0x1  }
0x36: {  	s22 =	simm.s32 $0x400  }
0x37: {  	s21 =	simm.s32 $0x600;
	v2 =	vld [tilespmem:s22+$0x0]  }
0x38: {  	v3 =	vld [tilespmem:s21+$0x0]  }
0x39: {  	v1 =	vld.idx.msk [tilespmem:v1+s16+$0x0], $0xffff;
	_ =	sdelay $0x2  }
0x3a: {  	v2 =	vadd.f32 $-3.549999950e+00, v2;
	_ =	sdelay $0x1  }
0x3b: {  	v3 =	vadd.f32 $3.549999950e+00, v3;
	v1 =	vmul.f32 v2, v1;
	_ =	sdelay $0x1  }
0x3c: {  	v1 =	vadd.f32 v1, v3  }
0x3d: {  	s23 =	simm.s32 $0xA00  }
0x3e: {  	s24 =	simm.s32 $0x10;
	[tilespmem:s23+$0x0] =	vst v1  }
0x3f: {  	s25 =	simm.s32 $0x20;
	s26 =	simm.s32 $0x10;
	v1 =	vld [tilespmem:s24+$0x0]  }
.LBB2_4:
0x40: {  	p0 =	sne.s32 s25, $0xF0;
	_ =	sdelay $0x1  }
0x41: {  	v2 =	vmov s24;
	s24 =	smov.u32 s25  }
0x42: {  	v2 =	vshll.u32 v2, $0x7  }
0x43: {  	v2 =	vor.u32 v0, v2;
	v1 =	vand.u32 $0x7F, v1  }
0x44: {  	v1 =	vor.u32 v2, v1;
	_ =	sdelay $0x2  }
0x45: {  	s22 =	sadd.s32 $0x10, s22  }
0x46: {  	v2 =	vld [tilespmem:s22+$0x0]  }
0x47: {  	s21 =	sadd.s32 $0x10, s21;
	v1 =	vld.idx.msk [tilespmem:v1+s16+$0x0], $0xffff  }
0x48: {  	v3 =	vld [tilespmem:s21+$0x0];
	_ =	sdelay $0x2  }
0x49: {  	v2 =	vadd.f32 $-3.549999950e+00, v2;
	_ =	sdelay $0x1  }
0x4a: {  	v3 =	vadd.f32 $3.549999950e+00, v3;
	v1 =	vmul.f32 v2, v1  }
.Ltmp1:
0x4b: {  	(pc) =	sbr.rel @p0 .LBB2_4-.Ltmp1, $4  }
0x4c: {  	v1 =	vadd.f32 v1, v3  }
0x4d: {  	s23 =	sadd.s32 $0x10, s23  }
0x4e: {  	s26 =	sadd.s32 $0x10, s26;
	[tilespmem:s23+$0x0] =	vst v1  }
0x4f: {  	s25 =	sadd.s32 $0x10, s25;
	v1 =	vld [tilespmem:s26+$0x0]  }
0x50: {  	_ =	sdelay $0x1  }
0x51: {  	v2 =	vmov s24  }
0x52: {  	v2 =	vshll.u32 v2, $0x7  }
0x53: {  	v2 =	vor.u32 v0, v2;
	v1 =	vand.u32 $0x7F, v1  }
0x54: {  	v1 =	vor.u32 v2, v1;
	_ =	sdelay $0x1  }
0x55: {  	s22 =	sadd.s32 $0x10, s22  }
0x56: {  	s21 =	sadd.s32 $0x10, s21;
	v2 =	vld [tilespmem:s22+$0x0]  }
0x57: {  	v3 =	vld [tilespmem:s21+$0x0]  }
0x58: {  	v1 =	vld.idx.msk [tilespmem:v1+s16+$0x0], $0xffff;
	_ =	sdelay $0x2  }
0x59: {  	v2 =	vadd.f32 $-3.549999950e+00, v2;
	_ =	sdelay $0x1  }
0x5a: {  	v3 =	vadd.f32 $3.549999950e+00, v3;
	v1 =	vmul.f32 v2, v1;
	_ =	sdelay $0x1  }
0x5b: {  	v1 =	vadd.f32 v1, v3  }
0x5c: {  	s29 =	sadd.s32 $0x10, s23  }
0x5d: {  	s30 =	simm.s32 $0x100;
	[tilespmem:s29+$0x0] =	vst v1  }
0x5e: {  	[tilespmem:s16], [sflag:$0x1] =	stream.indirect.gather [hbm4b:s3+s30], $0x80, s18, s30, $0xb8;
	[tilespmem:$0x8C00] =	vst v63  }
0x5f: {  	_ =	swait.ge [sflag:s17], $0x8000  }
0x60: {  	[sflag:s17] =	ssyncset.done $0x0  }
0x61: {  	[sflag:s17] =	ssyncadd.s32 $0xFFFF8000  }
0x62: {  	v1 =	vld [tilespmem:s30+$0x0];
	_ =	sdelay $0x1  }
0x63: {  	s31 =	simm.s32 $0x0  }
0x64: {  	v2 =	vmov s31  }
0x65: {  	v2 =	vshll.u32 v2, $0x7  }
0x66: {  	v2 =	vor.u32 v0, v2;
	v1 =	vand.u32 $0x7F, v1  }
0x67: {  	v1 =	vor.u32 v2, v1;
	_ =	sdelay $0x1  }
0x68: {  	s22 =	simm.s32 $0x500  }
0x69: {  	s21 =	simm.s32 $0x700;
	v2 =	vld [tilespmem:s22+$0x0]  }
0x6a: {  	v3 =	vld [tilespmem:s21+$0x0]  }
0x6b: {  	v1 =	vld.idx.msk [tilespmem:v1+s16+$0x0], $0xffff;
	_ =	sdelay $0x2  }
0x6c: {  	v2 =	vadd.f32 $-3.549999950e+00, v2;
	_ =	sdelay $0x1  }
0x6d: {  	v3 =	vadd.f32 $3.549999950e+00, v3;
	v1 =	vmul.f32 v2, v1;
	_ =	sdelay $0x1  }
0x6e: {  	v1 =	vadd.f32 v1, v3  }
0x6f: {  	s23 =	simm.s32 $0xB00  }
0x70: {  	s24 =	simm.s32 $0x110;
	[tilespmem:s23+$0x0] =	vst v1  }
0x71: {  	s25 =	simm.s32 $0x10;
	s26 =	simm.s32 $0x20;
	v1 =	vld [tilespmem:s24+$0x0]  }
.LBB2_6:
0x72: {  	p0 =	sne.s32 s26, $0xF0;
	_ =	sdelay $0x1  }
0x73: {  	v2 =	vmov s25;
	s25 =	smov.u32 s26  }
0x74: {  	v2 =	vshll.u32 v2, $0x7  }
0x75: {  	v2 =	vor.u32 v0, v2;
	v1 =	vand.u32 $0x7F, v1  }
0x76: {  	v1 =	vor.u32 v2, v1;
	_ =	sdelay $0x2  }
0x77: {  	s22 =	sadd.s32 $0x10, s22  }
0x78: {  	v2 =	vld [tilespmem:s22+$0x0]  }
0x79: {  	s21 =	sadd.s32 $0x10, s21;
	v1 =	vld.idx.msk [tilespmem:v1+s16+$0x0], $0xffff  }
0x7a: {  	v3 =	vld [tilespmem:s21+$0x0];
	_ =	sdelay $0x2  }
0x7b: {  	v2 =	vadd.f32 $-3.549999950e+00, v2;
	_ =	sdelay $0x1  }
0x7c: {  	v3 =	vadd.f32 $3.549999950e+00, v3;
	v1 =	vmul.f32 v2, v1  }
.Ltmp2:
0x7d: {  	(pc) =	sbr.rel @p0 .LBB2_6-.Ltmp2, $4  }
0x7e: {  	v1 =	vadd.f32 v1, v3  }
0x7f: {  	s23 =	sadd.s32 $0x10, s23  }
0x80: {  	s24 =	sadd.s32 $0x10, s24;
	[tilespmem:s23+$0x0] =	vst v1  }
0x81: {  	s26 =	sadd.s32 $0x10, s26;
	v1 =	vld [tilespmem:s24+$0x0]  }
0x82: {  	_ =	sdelay $0x1  }
0x83: {  	v2 =	vmov s25  }
0x84: {  	v2 =	vshll.u32 v2, $0x7  }
0x85: {  	v2 =	vor.u32 v0, v2;
	v1 =	vand.u32 $0x7F, v1  }
0x86: {  	v1 =	vor.u32 v2, v1;
	_ =	sdelay $0x1  }
0x87: {  	s22 =	sadd.s32 $0x10, s22  }
0x88: {  	s21 =	sadd.s32 $0x10, s21;
	v2 =	vld [tilespmem:s22+$0x0]  }
0x89: {  	v3 =	vld [tilespmem:s21+$0x0]  }
0x8a: {  	v1 =	vld.idx.msk [tilespmem:v1+s16+$0x0], $0xffff;
	_ =	sdelay $0x2  }
0x8b: {  	v2 =	vadd.f32 $-3.549999950e+00, v2;
	_ =	sdelay $0x1  }
0x8c: {  	v3 =	vadd.f32 $3.549999950e+00, v3;
	v1 =	vmul.f32 v2, v1;
	_ =	sdelay $0x1  }
0x8d: {  	s20 =	sadd.s32 $0x1, s20;
	v1 =	vadd.f32 v1, v3  }
0x8e: {  	s31 =	sadd.s32 $0x10, s23;
	p0 =	sne.s32 s20, s9  }
.Ltmp3:
0x8f: {  	[tilespmem:s31+$0x0] =	vst v1;
	(pc) =	sbr.rel @p0 .LBB2_1-.Ltmp3, $4  }
0x90: {  	[hbm4b:s8+s2] =	stream.linear.scatter [tilespmem:s19], [sflag:$0x2], $0x200, $0x38;
	[tilespmem:$0x8C00] =	vst v63  }
0x91: {  	_ =	swait.ge [sflag:s10], $0x200  }
0x92: {  	[sflag:s10] =	ssyncset.done $0x0  }
0x93: {  	[sflag:s10] =	ssyncadd.s32 $0xFFFFFE00  }
0x94: {  	_ =	sfence.sel $0x180000  }
0x95: {  	[bflag:$0x0] =	sbarrier.arrive $0xFFFF  }
0x96: {  	p0 =	sne.s32 s1, $0x0;
	_ =	strace $0x9000004A  }
0x97: {  	s0 =	sadd.s32 @!p0 $0x100000, s0;
	[bflag:$0x2] =	sbarrier.arrive $0xFFFF  }
0x98: {  	[sflag:s0] =	ssyncadd.tile.s32 @!p0 $0x1;
	_ =	shalt  }
.Lfunc_end2:
_tile_overlayer_lowered:
.L_overlay_start_2:
0x99: {  	(tag) =	ssettag $0x2  }
0x9a: {  	s0 =	rddreg [dreg:$0x0];
	s2 =	stileid.u32  }
0x9b: {  	s1 =	rddreg [dreg:$0x1];
	p0 =	sne.s32 s2, $0x0  }
0x9c: {  	s3 =	rddreg [dreg:$0x2];
	[bflag:$0x3] =	sbarrier.arrive $0xFFFF;
	s2 =	simm.s32 @!p0 $0x1C02  }
0x9d: {  	[timem:s3], [sflag:s2] =	dma.local @!p0 [hbm:s0], s1  }
0x9e: {  	s0 =	simm.s32 @!p0 $0x2  }
0x9f: {  	_ =	swait.ge @!p0 [sflag:s0], s1  }
0xa0: {  	s1 =	ssub.s32 @!p0 $0x0, s1;
	[sflag:s0] =	ssyncset.done @!p0 $0x0  }
0xa1: {  	[sflag:s0] =	ssyncadd.s32 @!p0 s1  }
0xa2: {  	[bflag:$0x3] =	sbarrier.arrive $0xFFFF  }
0xa3: {  	_ =	shalt  }

</sc_bundles>
